<compile_context>
chip_gen: v7x
topology: tpu7x:2x2x1
jax: 0.10.2.dev20260603
libtpu: 0.0.44.dev20260713+nightly
codegen_flags: <defaults>
</compile_context>

<pallas_src>
import functools

import jax
import jax.numpy as jnp
from jax import lax
from jax.experimental import pallas as pl
from jax.experimental.pallas import tpu as pltpu
from jax.experimental.pallas import tpu_sc as plsc

B = 16384
D = 64


_NC, _NS = 2, 16
_NW = _NC * _NS
_BPW = B // _NW
_IDXW = 128
_NG = _BPW // _IDXW


def _gather_body(uid_hbm, iid_hbm, utab_hbm, itab_hbm, uout_hbm, iout_hbm,
                 uidx_v, iidx_v, rows_v, sem):
    wid = lax.axis_index("s") * _NC + lax.axis_index("c")
    base = wid * _BPW
    rbase = wid * _NG
    pltpu.sync_copy(uid_hbm.at[pl.ds(rbase, _NG)], uidx_v)
    pltpu.sync_copy(iid_hbm.at[pl.ds(rbase, _NG)], iidx_v)
    for idx_v, tab_hbm, out_hbm in ((uidx_v, utab_hbm, uout_hbm),
                                    (iidx_v, itab_hbm, iout_hbm)):
        handles = [pltpu.make_async_copy(
            tab_hbm.at[idx_v.at[j]],
            rows_v.at[pl.ds(j * _IDXW, _IDXW)], sem) for j in range(_NG)]
        for h in handles:
            h.start()
        for h in handles:
            h.wait()
        pltpu.sync_copy(rows_v, out_hbm.at[pl.ds(base, _BPW)])


@functools.cache
def _make_gather():
    return pl.kernel(
        _gather_body,
        out_type=(
            jax.ShapeDtypeStruct((B, 128), jnp.float32),
            jax.ShapeDtypeStruct((B, 128), jnp.float32),
        ),
        mesh=plsc.VectorSubcoreMesh(core_axis_name="c", subcore_axis_name="s",
                                    num_cores=_NC, num_subcores=_NS),
        scratch_types=[
            pltpu.VMEM((_NG, _IDXW), jnp.int32),
            pltpu.VMEM((_NG, _IDXW), jnp.int32),
            pltpu.VMEM((_BPW, 128), jnp.float32),
            pltpu.SemaphoreType.DMA,
        ],
    )


_BSZ = 1024


def _towers_body(ue_ref, ie_ref, up_ref, ip_ref,
                 uW1, ub1, uW2, ub2, uPW, uPb,
                 iW1, ib1, iW2, ib2, iPW, iPb, rW, rb,
                 uo_ref, io_ref, r_ref):
    uodd = (up_ref[...] & 1) == 1
    iodd = (ip_ref[...] & 1) == 1
    ue = jnp.where(uodd, ue_ref[:, D:], ue_ref[:, :D])
    ie = jnp.where(iodd, ie_ref[:, D:], ie_ref[:, :D])
    f32 = jnp.float32
    u = jnp.maximum(jnp.dot(ue, uW1[...], preferred_element_type=f32) + ub1[...], 0.0)
    u = jnp.maximum(jnp.dot(u, uW2[...], preferred_element_type=f32) + ub2[...], 0.0)
    uo = jnp.dot(u, uPW[...], preferred_element_type=f32) + uPb[...]
    it = jnp.maximum(jnp.dot(ie, iW1[...], preferred_element_type=f32) + ib1[...], 0.0)
    it = jnp.maximum(jnp.dot(it, iW2[...], preferred_element_type=f32) + ib2[...], 0.0)
    io = jnp.dot(it, iPW[...], preferred_element_type=f32) + iPb[...]
    uo_ref[...] = uo
    io_ref[...] = io
    inter = uo * io
    r = jnp.sum(inter * rW[...], axis=1, keepdims=True) + rb[...]
    r_ref[...] = jax.nn.sigmoid(r) * 5.0


def _towers(ue, ie, up, ip, uW1, ub1, uW2, ub2, uPW, uPb,
            iW1, ib1, iW2, ib2, iPW, iPb, rW, rb):
    full = lambda s: pl.BlockSpec(s, lambda i: (0, 0))
    bspec = pl.BlockSpec((_BSZ, 128), lambda i: (i, 0))
    pspec = pl.BlockSpec((_BSZ, 1), lambda i: (i, 0))
    ospec = pl.BlockSpec((_BSZ, D), lambda i: (i, 0))
    H1, H2 = uW1.shape[1], uW2.shape[1]
    return pl.pallas_call(
        _towers_body,
        grid=(B // _BSZ,),
        in_specs=[
            bspec, bspec, pspec, pspec,
            full((D, H1)), full((1, H1)), full((H1, H2)), full((1, H2)),
            full((H2, D)), full((1, D)),
            full((D, H1)), full((1, H1)), full((H1, H2)), full((1, H2)),
            full((H2, D)), full((1, D)),
            full((1, D)), full((1, 1)),
        ],
        out_specs=[
            ospec, ospec,
            pl.BlockSpec((_BSZ, 1), lambda i: (i, 0)),
        ],
        out_shape=[
            jax.ShapeDtypeStruct((B, D), jnp.float32),
            jax.ShapeDtypeStruct((B, D), jnp.float32),
            jax.ShapeDtypeStruct((B, 1), jnp.float32),
        ],
    )(ue, ie, up, ip, uW1, ub1, uW2, ub2, uPW, uPb,
      iW1, ib1, iW2, ib2, iPW, iPb, rW, rb)


def kernel(user_id, item_id, user_table, item_table, uW1, ub1, uW2, ub2, uPW, uPb,
           iW1, ib1, iW2, ib2, iPW, iPb, rW, rb):
    uid2 = (user_id >> 1).reshape(B // _IDXW, _IDXW)
    iid2 = (item_id >> 1).reshape(B // _IDXW, _IDXW)
    ut2 = user_table.reshape(-1, 128)
    it2 = item_table.reshape(-1, 128)
    ue, ie = _make_gather()(uid2, iid2, ut2, it2)
    return _towers(ue, ie, user_id.reshape(B, 1), item_id.reshape(B, 1),
                   uW1, ub1.reshape(1, -1), uW2, ub2.reshape(1, -1),
                   uPW, uPb.reshape(1, -1),
                   iW1, ib1.reshape(1, -1), iW2, ib2.reshape(1, -1),
                   iPW, iPb.reshape(1, -1),
                   rW.reshape(1, -1), rb.reshape(1, 1))

# --- scband reference (transcript-rebuilt; emitter-appended) ---
"""Pipeline reference for scband-basic-two-tower-model-42030549958961 (READ-ONLY COPY).

The authoritative reference and input builder live on the scoring server;
editing this copy changes nothing except your own understanding.
"""

import jax, jax.numpy as jnp
import numpy as np

B = 16384
UV = 1000000
IV = 1000000
D = 64
H1 = 128
H2 = 64

def setup_inputs(seed: int = 0) -> dict:
    key = jax.random.key(seed)
    ks = jax.random.split(key, 20)
    inp = {}
    inp['user_id'] = jax.random.randint(ks[0], (B,), 0, UV, dtype=jnp.int32)
    inp['item_id'] = jax.random.randint(ks[1], (B,), 0, IV, dtype=jnp.int32)
    # embedding tables
    inp['user_table'] = jax.random.normal(ks[2], (UV, D), dtype=jnp.float32) * 0.05
    inp['item_table'] = jax.random.normal(ks[3], (IV, D), dtype=jnp.float32) * 0.05
    # user tower dense layers
    inp['uW1'] = jax.random.normal(ks[4], (D, H1), dtype=jnp.float32) * (1.0 / np.sqrt(D))
    inp['ub1'] = jnp.zeros((H1,), dtype=jnp.float32)
    inp['uW2'] = jax.random.normal(ks[5], (H1, H2), dtype=jnp.float32) * (1.0 / np.sqrt(H1))
    inp['ub2'] = jnp.zeros((H2,), dtype=jnp.float32)
    inp['uPW'] = jax.random.normal(ks[6], (H2, D), dtype=jnp.float32) * (1.0 / np.sqrt(H2))
    inp['uPb'] = jnp.zeros((D,), dtype=jnp.float32)
    # item tower dense layers
    inp['iW1'] = jax.random.normal(ks[7], (D, H1), dtype=jnp.float32) * (1.0 / np.sqrt(D))
    inp['ib1'] = jnp.zeros((H1,), dtype=jnp.float32)
    inp['iW2'] = jax.random.normal(ks[8], (H1, H2), dtype=jnp.float32) * (1.0 / np.sqrt(H1))
    inp['ib2'] = jnp.zeros((H2,), dtype=jnp.float32)
    inp['iPW'] = jax.random.normal(ks[9], (H2, D), dtype=jnp.float32) * (1.0 / np.sqrt(H2))
    inp['iPb'] = jnp.zeros((D,), dtype=jnp.float32)
    # rating head
    inp['rW'] = jax.random.normal(ks[10], (D, 1), dtype=jnp.float32) * (1.0 / np.sqrt(D))
    inp['rb'] = jnp.zeros((1,), dtype=jnp.float32)
    return inp


def reference(user_id, item_id, user_table, item_table,
              uW1, ub1, uW2, ub2, uPW, uPb,
              iW1, ib1, iW2, ib2, iPW, iPb,
              rW, rb):
    # embedding lookups (SparseCore gather)
    user_emb = jnp.take(user_table, user_id, axis=0)
    item_emb = jnp.take(item_table, item_id, axis=0)
    # user tower
    u = jax.nn.relu(user_emb @ uW1 + ub1)
    u = jax.nn.relu(u @ uW2 + ub2)
    user_output = u @ uPW + uPb
    # item tower
    it = jax.nn.relu(item_emb @ iW1 + ib1)
    it = jax.nn.relu(it @ iW2 + ib2)
    item_output = it @ iPW + iPb
    # interaction + rating head
    interaction = user_output * item_output
    rating_pred = jax.nn.sigmoid(interaction @ rW + rb) * 5.0
    return (user_output, item_output, rating_pred)

if __name__ == "__main__":
    import jax
    _d = setup_inputs()
    print(jax.jit(kernel)(*tuple(_d.values())))

</pallas_src>

<mosaic_0001>
#map = affine_map<(d0, d1) -> (0, 0)>
module attributes {stable_mosaic.version = 14 : i64} {
  func.func @_gather_body(%arg0: i32, %arg1: i32, %arg2: memref<128x128xi32, #tpu.memory_space<hbm>>, %arg3: memref<128x128xi32, #tpu.memory_space<hbm>>, %arg4: memref<500000x128xf32, #tpu.memory_space<hbm>>, %arg5: memref<500000x128xf32, #tpu.memory_space<hbm>>, %arg6: memref<16384x128xf32, #tpu.memory_space<hbm>>, %arg7: memref<16384x128xf32, #tpu.memory_space<hbm>>, %arg8: memref<4x128xi32, #tpu.memory_space<vmem>>, %arg9: memref<4x128xi32, #tpu.memory_space<vmem>>, %arg10: memref<512x128xf32, #tpu.memory_space<vmem>>, %arg11: memref<!tpu.dma_semaphore, #tpu.memory_space<semaphore_mem>>) attributes {dimension_semantics = [#tpu.dimension_semantics<core_parallel>, #tpu.dimension_semantics<subcore_parallel>], iteration_bounds = array<i64: 2, 16>, scalar_prefetch = 0 : i64, scratch_operands = 4 : i64, tpu.core_type = #tpu.core_type<sc_vector_subcore>, window_params = [{transform_indices = #map}, {transform_indices = #map}, {transform_indices = #map}, {transform_indices = #map}, {transform_indices = #map}, {transform_indices = #map}]} {
    %mul3A = arith.constant 2 : i32
    %mul3A_0 = arith.muli %arg1, %mul3A : i32
    %add3A = arith.addi %mul3A_0, %arg0 : i32
    %mul3A_1 = arith.constant 512 : i32
    %mul3A_2 = arith.muli %add3A, %mul3A_1 : i32
    %mul3A_3 = arith.constant 4 : i32
    %mul3A_4 = arith.muli %add3A, %mul3A_3 : i32
    "tpu.region"() ({
      %run_scoped3A = tpu.sem_alloc : memref<!tpu.dma_semaphore, #tpu.memory_space<semaphore_mem>>
      %dma_start3A_163 = arith.constant 0 : i32
      %dma_start3A_164 = tpu.memref_slice %arg2[%mul3A_4, %dma_start3A_163] : memref<128x128xi32, #tpu.memory_space<hbm>> -> memref<4x128xi32, #tpu.memory_space<hbm>>
      %dma_start3A_165 = arith.constant 0 : i32
      %dma_start3A_166 = tpu.memref_slice %arg2[%mul3A_4, %dma_start3A_165] : memref<128x128xi32, #tpu.memory_space<hbm>> -> memref<4x128xi32, #tpu.memory_space<hbm>>
      tpu.enqueue_dma source(%dma_start3A_166 : memref<4x128xi32, #tpu.memory_space<hbm>>) target(%arg8 : memref<4x128xi32, #tpu.memory_space<vmem>>) target_semaphore(%run_scoped3A : memref<!tpu.dma_semaphore, #tpu.memory_space<semaphore_mem>>)
      %dma_wait3A_167 = arith.constant 0 : i32
      %dma_wait3A_168 = tpu.memref_slice %arg2[%mul3A_4, %dma_wait3A_167] : memref<128x128xi32, #tpu.memory_space<hbm>> -> memref<4x128xi32, #tpu.memory_space<hbm>>
      %dma_wait3A_169 = arith.constant 0 : i32
      %dma_wait3A_170 = tpu.memref_slice %arg2[%mul3A_4, %dma_wait3A_169] : memref<128x128xi32, #tpu.memory_space<hbm>> -> memref<4x128xi32, #tpu.memory_space<hbm>>
      tpu.wait_dma2 semaphore(%run_scoped3A : memref<!tpu.dma_semaphore, #tpu.memory_space<semaphore_mem>>) src(%dma_wait3A_170 : memref<4x128xi32, #tpu.memory_space<hbm>>) dst(%arg8 : memref<4x128xi32, #tpu.memory_space<vmem>>)
      tpu.yield
    }) : () -> ()
    "tpu.region"() ({
      %run_scoped3A = tpu.sem_alloc : memref<!tpu.dma_semaphore, #tpu.memory_space<semaphore_mem>>
      %dma_start3A_163 = arith.constant 0 : i32
      %dma_start3A_164 = tpu.memref_slice %arg3[%mul3A_4, %dma_start3A_163] : memref<128x128xi32, #tpu.memory_space<hbm>> -> memref<4x128xi32, #tpu.memory_space<hbm>>
      %dma_start3A_165 = arith.constant 0 : i32
      %dma_start3A_166 = tpu.memref_slice %arg3[%mul3A_4, %dma_start3A_165] : memref<128x128xi32, #tpu.memory_space<hbm>> -> memref<4x128xi32, #tpu.memory_space<hbm>>
      tpu.enqueue_dma source(%dma_start3A_166 : memref<4x128xi32, #tpu.memory_space<hbm>>) target(%arg9 : memref<4x128xi32, #tpu.memory_space<vmem>>) target_semaphore(%run_scoped3A : memref<!tpu.dma_semaphore, #tpu.memory_space<semaphore_mem>>)
      %dma_wait3A_167 = arith.constant 0 : i32
      %dma_wait3A_168 = tpu.memref_slice %arg3[%mul3A_4, %dma_wait3A_167] : memref<128x128xi32, #tpu.memory_space<hbm>> -> memref<4x128xi32, #tpu.memory_space<hbm>>
      %dma_wait3A_169 = arith.constant 0 : i32
      %dma_wait3A_170 = tpu.memref_slice %arg3[%mul3A_4, %dma_wait3A_169] : memref<128x128xi32, #tpu.memory_space<hbm>> -> memref<4x128xi32, #tpu.memory_space<hbm>>
      tpu.wait_dma2 semaphore(%run_scoped3A : memref<!tpu.dma_semaphore, #tpu.memory_space<semaphore_mem>>) src(%dma_wait3A_170 : memref<4x128xi32, #tpu.memory_space<hbm>>) dst(%arg9 : memref<4x128xi32, #tpu.memory_space<vmem>>)
      tpu.yield
    }) : () -> ()
    %dma_start3A = arith.constant 0 : i32
    %dma_start3A_5 = arith.constant 0 : i32
    %dma_start3A_6 = arith.constant 0 : i32
    %dma_start3A_7 = tpu.memref_slice %arg10[%dma_start3A_5, %dma_start3A_6] : memref<512x128xf32, #tpu.memory_space<vmem>> -> memref<128x128xf32, #tpu.memory_space<vmem>>
    %dma_start3A_8 = arith.constant 0 : i32
    %dma_start3A_9 = tpu.memref_slice %arg8[%dma_start3A, %dma_start3A_8] : memref<4x128xi32, #tpu.memory_space<vmem>> -> memref<1x128xi32, #tpu.memory_space<vmem>>
    %dma_start3A_10 = tpu.memref_squeeze %dma_start3A_9 : memref<1x128xi32, #tpu.memory_space<vmem>> -> memref<128xi32, #tpu.memory_space<vmem>>
    %dma_start3A_11 = arith.constant 0 : i32
    %dma_start3A_12 = arith.constant 0 : i32
    %dma_start3A_13 = tpu.memref_slice %arg4[%dma_start3A_11, %dma_start3A_12] : memref<500000x128xf32, #tpu.memory_space<hbm>> -> memref<500000x128xf32, #tpu.memory_space<hbm>>
    tpu.enqueue_indirect_dma source(%dma_start3A_13 : memref<500000x128xf32, #tpu.memory_space<hbm>>) target(%dma_start3A_7 : memref<128x128xf32, #tpu.memory_space<vmem>>) offsets(%dma_start3A_10 : memref<128xi32, #tpu.memory_space<vmem>>) semaphore(%arg11 : memref<!tpu.dma_semaphore, #tpu.memory_space<semaphore_mem>>)
    %dma_start3A_14 = arith.constant 1 : i32
    %dma_start3A_15 = arith.constant 128 : i32
    %dma_start3A_16 = arith.constant 0 : i32
    %dma_start3A_17 = tpu.memref_slice %arg10[%dma_start3A_15, %dma_start3A_16] : memref<512x128xf32, #tpu.memory_space<vmem>> -> memref<128x128xf32, #tpu.memory_space<vmem>>
    %dma_start3A_18 = arith.constant 0 : i32
    %dma_start3A_19 = tpu.memref_slice %arg8[%dma_start3A_14, %dma_start3A_18] : memref<4x128xi32, #tpu.memory_space<vmem>> -> memref<1x128xi32, #tpu.memory_space<vmem>>
    %dma_start3A_20 = tpu.memref_squeeze %dma_start3A_19 : memref<1x128xi32, #tpu.memory_space<vmem>> -> memref<128xi32, #tpu.memory_space<vmem>>
    %dma_start3A_21 = arith.constant 0 : i32
    %dma_start3A_22 = arith.constant 0 : i32
    %dma_start3A_23 = tpu.memref_slice %arg4[%dma_start3A_21, %dma_start3A_22] : memref<500000x128xf32, #tpu.memory_space<hbm>> -> memref<500000x128xf32, #tpu.memory_space<hbm>>
    tpu.enqueue_indirect_dma source(%dma_start3A_23 : memref<500000x128xf32, #tpu.memory_space<hbm>>) target(%dma_start3A_17 : memref<128x128xf32, #tpu.memory_space<vmem>>) offsets(%dma_start3A_20 : memref<128xi32, #tpu.memory_space<vmem>>) semaphore(%arg11 : memref<!tpu.dma_semaphore, #tpu.memory_space<semaphore_mem>>)
    %dma_start3A_24 = arith.constant 2 : i32
    %dma_start3A_25 = arith.constant 256 : i32
    %dma_start3A_26 = arith.constant 0 : i32
    %dma_start3A_27 = tpu.memref_slice %arg10[%dma_start3A_25, %dma_start3A_26] : memref<512x128xf32, #tpu.memory_space<vmem>> -> memref<128x128xf32, #tpu.memory_space<vmem>>
    %dma_start3A_28 = arith.constant 0 : i32
    %dma_start3A_29 = tpu.memref_slice %arg8[%dma_start3A_24, %dma_start3A_28] : memref<4x128xi32, #tpu.memory_space<vmem>> -> memref<1x128xi32, #tpu.memory_space<vmem>>
    %dma_start3A_30 = tpu.memref_squeeze %dma_start3A_29 : memref<1x128xi32, #tpu.memory_space<vmem>> -> memref<128xi32, #tpu.memory_space<vmem>>
    %dma_start3A_31 = arith.constant 0 : i32
    %dma_start3A_32 = arith.constant 0 : i32
    %dma_start3A_33 = tpu.memref_slice %arg4[%dma_start3A_31, %dma_start3A_32] : memref<500000x128xf32, #tpu.memory_space<hbm>> -> memref<500000x128xf32, #tpu.memory_space<hbm>>
    tpu.enqueue_indirect_dma source(%dma_start3A_33 : memref<500000x128xf32, #tpu.memory_space<hbm>>) target(%dma_start3A_27 : memref<128x128xf32, #tpu.memory_space<vmem>>) offsets(%dma_start3A_30 : memref<128xi32, #tpu.memory_space<vmem>>) semaphore(%arg11 : memref<!tpu.dma_semaphore, #tpu.memory_space<semaphore_mem>>)
    %dma_start3A_34 = arith.constant 3 : i32
    %dma_start3A_35 = arith.constant 384 : i32
    %dma_start3A_36 = arith.constant 0 : i32
    %dma_start3A_37 = tpu.memref_slice %arg10[%dma_start3A_35, %dma_start3A_36] : memref<512x128xf32, #tpu.memory_space<vmem>> -> memref<128x128xf32, #tpu.memory_space<vmem>>
    %dma_start3A_38 = arith.constant 0 : i32
    %dma_start3A_39 = tpu.memref_slice %arg8[%dma_start3A_34, %dma_start3A_38] : memref<4x128xi32, #tpu.memory_space<vmem>> -> memref<1x128xi32, #tpu.memory_space<vmem>>
    %dma_start3A_40 = tpu.memref_squeeze %dma_start3A_39 : memref<1x128xi32, #tpu.memory_space<vmem>> -> memref<128xi32, #tpu.memory_space<vmem>>
    %dma_start3A_41 = arith.constant 0 : i32
    %dma_start3A_42 = arith.constant 0 : i32
    %dma_start3A_43 = tpu.memref_slice %arg4[%dma_start3A_41, %dma_start3A_42] : memref<500000x128xf32, #tpu.memory_space<hbm>> -> memref<500000x128xf32, #tpu.memory_space<hbm>>
    tpu.enqueue_indirect_dma source(%dma_start3A_43 : memref<500000x128xf32, #tpu.memory_space<hbm>>) target(%dma_start3A_37 : memref<128x128xf32, #tpu.memory_space<vmem>>) offsets(%dma_start3A_40 : memref<128xi32, #tpu.memory_space<vmem>>) semaphore(%arg11 : memref<!tpu.dma_semaphore, #tpu.memory_space<semaphore_mem>>)
    %dma_wait3A = arith.constant 0 : i32
    %dma_wait3A_44 = arith.constant 0 : i32
    %dma_wait3A_45 = arith.constant 0 : i32
    %dma_wait3A_46 = tpu.memref_slice %arg10[%dma_wait3A_44, %dma_wait3A_45] : memref<512x128xf32, #tpu.memory_space<vmem>> -> memref<128x128xf32, #tpu.memory_space<vmem>>
    %dma_wait3A_47 = arith.constant 0 : i32
    %dma_wait3A_48 = tpu.memref_slice %arg8[%dma_wait3A, %dma_wait3A_47] : memref<4x128xi32, #tpu.memory_space<vmem>> -> memref<1x128xi32, #tpu.memory_space<vmem>>
    %dma_wait3A_49 = tpu.memref_squeeze %dma_wait3A_48 : memref<1x128xi32, #tpu.memory_space<vmem>> -> memref<128xi32, #tpu.memory_space<vmem>>
    %dma_wait3A_50 = arith.constant 0 : i32
    %dma_wait3A_51 = arith.constant 0 : i32
    %dma_wait3A_52 = tpu.memref_slice %arg4[%dma_wait3A_50, %dma_wait3A_51] : memref<500000x128xf32, #tpu.memory_space<hbm>> -> memref<500000x128xf32, #tpu.memory_space<hbm>>
    tpu.wait_indirect_dma semaphore(%arg11 : memref<!tpu.dma_semaphore, #tpu.memory_space<semaphore_mem>>) src(%dma_wait3A_52 : memref<500000x128xf32, #tpu.memory_space<hbm>>) dst(%dma_wait3A_46 : memref<128x128xf32, #tpu.memory_space<vmem>>)
    %dma_wait3A_53 = arith.constant 1 : i32
    %dma_wait3A_54 = arith.constant 128 : i32
    %dma_wait3A_55 = arith.constant 0 : i32
    %dma_wait3A_56 = tpu.memref_slice %arg10[%dma_wait3A_54, %dma_wait3A_55] : memref<512x128xf32, #tpu.memory_space<vmem>> -> memref<128x128xf32, #tpu.memory_space<vmem>>
    %dma_wait3A_57 = arith.constant 0 : i32
    %dma_wait3A_58 = tpu.memref_slice %arg8[%dma_wait3A_53, %dma_wait3A_57] : memref<4x128xi32, #tpu.memory_space<vmem>> -> memref<1x128xi32, #tpu.memory_space<vmem>>
    %dma_wait3A_59 = tpu.memref_squeeze %dma_wait3A_58 : memref<1x128xi32, #tpu.memory_space<vmem>> -> memref<128xi32, #tpu.memory_space<vmem>>
    %dma_wait3A_60 = arith.constant 0 : i32
    %dma_wait3A_61 = arith.constant 0 : i32
    %dma_wait3A_62 = tpu.memref_slice %arg4[%dma_wait3A_60, %dma_wait3A_61] : memref<500000x128xf32, #tpu.memory_space<hbm>> -> memref<500000x128xf32, #tpu.memory_space<hbm>>
    tpu.wait_indirect_dma semaphore(%arg11 : memref<!tpu.dma_semaphore, #tpu.memory_space<semaphore_mem>>) src(%dma_wait3A_62 : memref<500000x128xf32, #tpu.memory_space<hbm>>) dst(%dma_wait3A_56 : memref<128x128xf32, #tpu.memory_space<vmem>>)
    %dma_wait3A_63 = arith.constant 2 : i32
    %dma_wait3A_64 = arith.constant 256 : i32
    %dma_wait3A_65 = arith.constant 0 : i32
    %dma_wait3A_66 = tpu.memref_slice %arg10[%dma_wait3A_64, %dma_wait3A_65] : memref<512x128xf32, #tpu.memory_space<vmem>> -> memref<128x128xf32, #tpu.memory_space<vmem>>
    %dma_wait3A_67 = arith.constant 0 : i32
    %dma_wait3A_68 = tpu.memref_slice %arg8[%dma_wait3A_63, %dma_wait3A_67] : memref<4x128xi32, #tpu.memory_space<vmem>> -> memref<1x128xi32, #tpu.memory_space<vmem>>
    %dma_wait3A_69 = tpu.memref_squeeze %dma_wait3A_68 : memref<1x128xi32, #tpu.memory_space<vmem>> -> memref<128xi32, #tpu.memory_space<vmem>>
    %dma_wait3A_70 = arith.constant 0 : i32
    %dma_wait3A_71 = arith.constant 0 : i32
    %dma_wait3A_72 = tpu.memref_slice %arg4[%dma_wait3A_70, %dma_wait3A_71] : memref<500000x128xf32, #tpu.memory_space<hbm>> -> memref<500000x128xf32, #tpu.memory_space<hbm>>
    tpu.wait_indirect_dma semaphore(%arg11 : memref<!tpu.dma_semaphore, #tpu.memory_space<semaphore_mem>>) src(%dma_wait3A_72 : memref<500000x128xf32, #tpu.memory_space<hbm>>) dst(%dma_wait3A_66 : memref<128x128xf32, #tpu.memory_space<vmem>>)
    %dma_wait3A_73 = arith.constant 3 : i32
    %dma_wait3A_74 = arith.constant 384 : i32
    %dma_wait3A_75 = arith.constant 0 : i32
    %dma_wait3A_76 = tpu.memref_slice %arg10[%dma_wait3A_74, %dma_wait3A_75] : memref<512x128xf32, #tpu.memory_space<vmem>> -> memref<128x128xf32, #tpu.memory_space<vmem>>
    %dma_wait3A_77 = arith.constant 0 : i32
    %dma_wait3A_78 = tpu.memref_slice %arg8[%dma_wait3A_73, %dma_wait3A_77] : memref<4x128xi32, #tpu.memory_space<vmem>> -> memref<1x128xi32, #tpu.memory_space<vmem>>
    %dma_wait3A_79 = tpu.memref_squeeze %dma_wait3A_78 : memref<1x128xi32, #tpu.memory_space<vmem>> -> memref<128xi32, #tpu.memory_space<vmem>>
    %dma_wait3A_80 = arith.constant 0 : i32
    %dma_wait3A_81 = arith.constant 0 : i32
    %dma_wait3A_82 = tpu.memref_slice %arg4[%dma_wait3A_80, %dma_wait3A_81] : memref<500000x128xf32, #tpu.memory_space<hbm>> -> memref<500000x128xf32, #tpu.memory_space<hbm>>
    tpu.wait_indirect_dma semaphore(%arg11 : memref<!tpu.dma_semaphore, #tpu.memory_space<semaphore_mem>>) src(%dma_wait3A_82 : memref<500000x128xf32, #tpu.memory_space<hbm>>) dst(%dma_wait3A_76 : memref<128x128xf32, #tpu.memory_space<vmem>>)
    "tpu.region"() ({
      %run_scoped3A = tpu.sem_alloc : memref<!tpu.dma_semaphore, #tpu.memory_space<semaphore_mem>>
      %dma_start3A_163 = arith.constant 0 : i32
      %dma_start3A_164 = tpu.memref_slice %arg6[%mul3A_2, %dma_start3A_163] : memref<16384x128xf32, #tpu.memory_space<hbm>> -> memref<512x128xf32, #tpu.memory_space<hbm>>
      %dma_start3A_165 = arith.constant 0 : i32
      %dma_start3A_166 = tpu.memref_slice %arg6[%mul3A_2, %dma_start3A_165] : memref<16384x128xf32, #tpu.memory_space<hbm>> -> memref<512x128xf32, #tpu.memory_space<hbm>>
      tpu.enqueue_dma source(%arg10 : memref<512x128xf32, #tpu.memory_space<vmem>>) target(%dma_start3A_166 : memref<512x128xf32, #tpu.memory_space<hbm>>) target_semaphore(%run_scoped3A : memref<!tpu.dma_semaphore, #tpu.memory_space<semaphore_mem>>)
      %dma_wait3A_167 = arith.constant 0 : i32
      %dma_wait3A_168 = tpu.memref_slice %arg6[%mul3A_2, %dma_wait3A_167] : memref<16384x128xf32, #tpu.memory_space<hbm>> -> memref<512x128xf32, #tpu.memory_space<hbm>>
      %dma_wait3A_169 = arith.constant 0 : i32
      %dma_wait3A_170 = tpu.memref_slice %arg6[%mul3A_2, %dma_wait3A_169] : memref<16384x128xf32, #tpu.memory_space<hbm>> -> memref<512x128xf32, #tpu.memory_space<hbm>>
      tpu.wait_dma2 semaphore(%run_scoped3A : memref<!tpu.dma_semaphore, #tpu.memory_space<semaphore_mem>>) src(%arg10 : memref<512x128xf32, #tpu.memory_space<vmem>>) dst(%dma_wait3A_170 : memref<512x128xf32, #tpu.memory_space<hbm>>)
      tpu.yield
    }) : () -> ()
    %dma_start3A_83 = arith.constant 0 : i32
    %dma_start3A_84 = arith.constant 0 : i32
    %dma_start3A_85 = arith.constant 0 : i32
    %dma_start3A_86 = tpu.memref_slice %arg10[%dma_start3A_84, %dma_start3A_85] : memref<512x128xf32, #tpu.memory_space<vmem>> -> memref<128x128xf32, #tpu.memory_space<vmem>>
    %dma_start3A_87 = arith.constant 0 : i32
    %dma_start3A_88 = tpu.memref_slice %arg9[%dma_start3A_83, %dma_start3A_87] : memref<4x128xi32, #tpu.memory_space<vmem>> -> memref<1x128xi32, #tpu.memory_space<vmem>>
    %dma_start3A_89 = tpu.memref_squeeze %dma_start3A_88 : memref<1x128xi32, #tpu.memory_space<vmem>> -> memref<128xi32, #tpu.memory_space<vmem>>
    %dma_start3A_90 = arith.constant 0 : i32
    %dma_start3A_91 = arith.constant 0 : i32
    %dma_start3A_92 = tpu.memref_slice %arg5[%dma_start3A_90, %dma_start3A_91] : memref<500000x128xf32, #tpu.memory_space<hbm>> -> memref<500000x128xf32, #tpu.memory_space<hbm>>
    tpu.enqueue_indirect_dma source(%dma_start3A_92 : memref<500000x128xf32, #tpu.memory_space<hbm>>) target(%dma_start3A_86 : memref<128x128xf32, #tpu.memory_space<vmem>>) offsets(%dma_start3A_89 : memref<128xi32, #tpu.memory_space<vmem>>) semaphore(%arg11 : memref<!tpu.dma_semaphore, #tpu.memory_space<semaphore_mem>>)
    %dma_start3A_93 = arith.constant 1 : i32
    %dma_start3A_94 = arith.constant 128 : i32
    %dma_start3A_95 = arith.constant 0 : i32
    %dma_start3A_96 = tpu.memref_slice %arg10[%dma_start3A_94, %dma_start3A_95] : memref<512x128xf32, #tpu.memory_space<vmem>> -> memref<128x128xf32, #tpu.memory_space<vmem>>
    %dma_start3A_97 = arith.constant 0 : i32
    %dma_start3A_98 = tpu.memref_slice %arg9[%dma_start3A_93, %dma_start3A_97] : memref<4x128xi32, #tpu.memory_space<vmem>> -> memref<1x128xi32, #tpu.memory_space<vmem>>
    %dma_start3A_99 = tpu.memref_squeeze %dma_start3A_98 : memref<1x128xi32, #tpu.memory_space<vmem>> -> memref<128xi32, #tpu.memory_space<vmem>>
    %dma_start3A_100 = arith.constant 0 : i32
    %dma_start3A_101 = arith.constant 0 : i32
    %dma_start3A_102 = tpu.memref_slice %arg5[%dma_start3A_100, %dma_start3A_101] : memref<500000x128xf32, #tpu.memory_space<hbm>> -> memref<500000x128xf32, #tpu.memory_space<hbm>>
    tpu.enqueue_indirect_dma source(%dma_start3A_102 : memref<500000x128xf32, #tpu.memory_space<hbm>>) target(%dma_start3A_96 : memref<128x128xf32, #tpu.memory_space<vmem>>) offsets(%dma_start3A_99 : memref<128xi32, #tpu.memory_space<vmem>>) semaphore(%arg11 : memref<!tpu.dma_semaphore, #tpu.memory_space<semaphore_mem>>)
    %dma_start3A_103 = arith.constant 2 : i32
    %dma_start3A_104 = arith.constant 256 : i32
    %dma_start3A_105 = arith.constant 0 : i32
    %dma_start3A_106 = tpu.memref_slice %arg10[%dma_start3A_104, %dma_start3A_105] : memref<512x128xf32, #tpu.memory_space<vmem>> -> memref<128x128xf32, #tpu.memory_space<vmem>>
    %dma_start3A_107 = arith.constant 0 : i32
    %dma_start3A_108 = tpu.memref_slice %arg9[%dma_start3A_103, %dma_start3A_107] : memref<4x128xi32, #tpu.memory_space<vmem>> -> memref<1x128xi32, #tpu.memory_space<vmem>>
    %dma_start3A_109 = tpu.memref_squeeze %dma_start3A_108 : memref<1x128xi32, #tpu.memory_space<vmem>> -> memref<128xi32, #tpu.memory_space<vmem>>
    %dma_start3A_110 = arith.constant 0 : i32
    %dma_start3A_111 = arith.constant 0 : i32
    %dma_start3A_112 = tpu.memref_slice %arg5[%dma_start3A_110, %dma_start3A_111] : memref<500000x128xf32, #tpu.memory_space<hbm>> -> memref<500000x128xf32, #tpu.memory_space<hbm>>
    tpu.enqueue_indirect_dma source(%dma_start3A_112 : memref<500000x128xf32, #tpu.memory_space<hbm>>) target(%dma_start3A_106 : memref<128x128xf32, #tpu.memory_space<vmem>>) offsets(%dma_start3A_109 : memref<128xi32, #tpu.memory_space<vmem>>) semaphore(%arg11 : memref<!tpu.dma_semaphore, #tpu.memory_space<semaphore_mem>>)
    %dma_start3A_113 = arith.constant 3 : i32
    %dma_start3A_114 = arith.constant 384 : i32
    %dma_start3A_115 = arith.constant 0 : i32
    %dma_start3A_116 = tpu.memref_slice %arg10[%dma_start3A_114, %dma_start3A_115] : memref<512x128xf32, #tpu.memory_space<vmem>> -> memref<128x128xf32, #tpu.memory_space<vmem>>
    %dma_start3A_117 = arith.constant 0 : i32
    %dma_start3A_118 = tpu.memref_slice %arg9[%dma_start3A_113, %dma_start3A_117] : memref<4x128xi32, #tpu.memory_space<vmem>> -> memref<1x128xi32, #tpu.memory_space<vmem>>
    %dma_start3A_119 = tpu.memref_squeeze %dma_start3A_118 : memref<1x128xi32, #tpu.memory_space<vmem>> -> memref<128xi32, #tpu.memory_space<vmem>>
    %dma_start3A_120 = arith.constant 0 : i32
    %dma_start3A_121 = arith.constant 0 : i32
    %dma_start3A_122 = tpu.memref_slice %arg5[%dma_start3A_120, %dma_start3A_121] : memref<500000x128xf32, #tpu.memory_space<hbm>> -> memref<500000x128xf32, #tpu.memory_space<hbm>>
    tpu.enqueue_indirect_dma source(%dma_start3A_122 : memref<500000x128xf32, #tpu.memory_space<hbm>>) target(%dma_start3A_116 : memref<128x128xf32, #tpu.memory_space<vmem>>) offsets(%dma_start3A_119 : memref<128xi32, #tpu.memory_space<vmem>>) semaphore(%arg11 : memref<!tpu.dma_semaphore, #tpu.memory_space<semaphore_mem>>)
    %dma_wait3A_123 = arith.constant 0 : i32
    %dma_wait3A_124 = arith.constant 0 : i32
    %dma_wait3A_125 = arith.constant 0 : i32
    %dma_wait3A_126 = tpu.memref_slice %arg10[%dma_wait3A_124, %dma_wait3A_125] : memref<512x128xf32, #tpu.memory_space<vmem>> -> memref<128x128xf32, #tpu.memory_space<vmem>>
    %dma_wait3A_127 = arith.constant 0 : i32
    %dma_wait3A_128 = tpu.memref_slice %arg9[%dma_wait3A_123, %dma_wait3A_127] : memref<4x128xi32, #tpu.memory_space<vmem>> -> memref<1x128xi32, #tpu.memory_space<vmem>>
    %dma_wait3A_129 = tpu.memref_squeeze %dma_wait3A_128 : memref<1x128xi32, #tpu.memory_space<vmem>> -> memref<128xi32, #tpu.memory_space<vmem>>
    %dma_wait3A_130 = arith.constant 0 : i32
    %dma_wait3A_131 = arith.constant 0 : i32
    %dma_wait3A_132 = tpu.memref_slice %arg5[%dma_wait3A_130, %dma_wait3A_131] : memref<500000x128xf32, #tpu.memory_space<hbm>> -> memref<500000x128xf32, #tpu.memory_space<hbm>>
    tpu.wait_indirect_dma semaphore(%arg11 : memref<!tpu.dma_semaphore, #tpu.memory_space<semaphore_mem>>) src(%dma_wait3A_132 : memref<500000x128xf32, #tpu.memory_space<hbm>>) dst(%dma_wait3A_126 : memref<128x128xf32, #tpu.memory_space<vmem>>)
    %dma_wait3A_133 = arith.constant 1 : i32
    %dma_wait3A_134 = arith.constant 128 : i32
    %dma_wait3A_135 = arith.constant 0 : i32
    %dma_wait3A_136 = tpu.memref_slice %arg10[%dma_wait3A_134, %dma_wait3A_135] : memref<512x128xf32, #tpu.memory_space<vmem>> -> memref<128x128xf32, #tpu.memory_space<vmem>>
    %dma_wait3A_137 = arith.constant 0 : i32
    %dma_wait3A_138 = tpu.memref_slice %arg9[%dma_wait3A_133, %dma_wait3A_137] : memref<4x128xi32, #tpu.memory_space<vmem>> -> memref<1x128xi32, #tpu.memory_space<vmem>>
    %dma_wait3A_139 = tpu.memref_squeeze %dma_wait3A_138 : memref<1x128xi32, #tpu.memory_space<vmem>> -> memref<128xi32, #tpu.memory_space<vmem>>
    %dma_wait3A_140 = arith.constant 0 : i32
    %dma_wait3A_141 = arith.constant 0 : i32
    %dma_wait3A_142 = tpu.memref_slice %arg5[%dma_wait3A_140, %dma_wait3A_141] : memref<500000x128xf32, #tpu.memory_space<hbm>> -> memref<500000x128xf32, #tpu.memory_space<hbm>>
    tpu.wait_indirect_dma semaphore(%arg11 : memref<!tpu.dma_semaphore, #tpu.memory_space<semaphore_mem>>) src(%dma_wait3A_142 : memref<500000x128xf32, #tpu.memory_space<hbm>>) dst(%dma_wait3A_136 : memref<128x128xf32, #tpu.memory_space<vmem>>)
    %dma_wait3A_143 = arith.constant 2 : i32
    %dma_wait3A_144 = arith.constant 256 : i32
    %dma_wait3A_145 = arith.constant 0 : i32
    %dma_wait3A_146 = tpu.memref_slice %arg10[%dma_wait3A_144, %dma_wait3A_145] : memref<512x128xf32, #tpu.memory_space<vmem>> -> memref<128x128xf32, #tpu.memory_space<vmem>>
    %dma_wait3A_147 = arith.constant 0 : i32
    %dma_wait3A_148 = tpu.memref_slice %arg9[%dma_wait3A_143, %dma_wait3A_147] : memref<4x128xi32, #tpu.memory_space<vmem>> -> memref<1x128xi32, #tpu.memory_space<vmem>>
    %dma_wait3A_149 = tpu.memref_squeeze %dma_wait3A_148 : memref<1x128xi32, #tpu.memory_space<vmem>> -> memref<128xi32, #tpu.memory_space<vmem>>
    %dma_wait3A_150 = arith.constant 0 : i32
    %dma_wait3A_151 = arith.constant 0 : i32
    %dma_wait3A_152 = tpu.memref_slice %arg5[%dma_wait3A_150, %dma_wait3A_151] : memref<500000x128xf32, #tpu.memory_space<hbm>> -> memref<500000x128xf32, #tpu.memory_space<hbm>>
    tpu.wait_indirect_dma semaphore(%arg11 : memref<!tpu.dma_semaphore, #tpu.memory_space<semaphore_mem>>) src(%dma_wait3A_152 : memref<500000x128xf32, #tpu.memory_space<hbm>>) dst(%dma_wait3A_146 : memref<128x128xf32, #tpu.memory_space<vmem>>)
    %dma_wait3A_153 = arith.constant 3 : i32
    %dma_wait3A_154 = arith.constant 384 : i32
    %dma_wait3A_155 = arith.constant 0 : i32
    %dma_wait3A_156 = tpu.memref_slice %arg10[%dma_wait3A_154, %dma_wait3A_155] : memref<512x128xf32, #tpu.memory_space<vmem>> -> memref<128x128xf32, #tpu.memory_space<vmem>>
    %dma_wait3A_157 = arith.constant 0 : i32
    %dma_wait3A_158 = tpu.memref_slice %arg9[%dma_wait3A_153, %dma_wait3A_157] : memref<4x128xi32, #tpu.memory_space<vmem>> -> memref<1x128xi32, #tpu.memory_space<vmem>>
    %dma_wait3A_159 = tpu.memref_squeeze %dma_wait3A_158 : memref<1x128xi32, #tpu.memory_space<vmem>> -> memref<128xi32, #tpu.memory_space<vmem>>
    %dma_wait3A_160 = arith.constant 0 : i32
    %dma_wait3A_161 = arith.constant 0 : i32
    %dma_wait3A_162 = tpu.memref_slice %arg5[%dma_wait3A_160, %dma_wait3A_161] : memref<500000x128xf32, #tpu.memory_space<hbm>> -> memref<500000x128xf32, #tpu.memory_space<hbm>>
    tpu.wait_indirect_dma semaphore(%arg11 : memref<!tpu.dma_semaphore, #tpu.memory_space<semaphore_mem>>) src(%dma_wait3A_162 : memref<500000x128xf32, #tpu.memory_space<hbm>>) dst(%dma_wait3A_156 : memref<128x128xf32, #tpu.memory_space<vmem>>)
    "tpu.region"() ({
      %run_scoped3A = tpu.sem_alloc : memref<!tpu.dma_semaphore, #tpu.memory_space<semaphore_mem>>
      %dma_start3A_163 = arith.constant 0 : i32
      %dma_start3A_164 = tpu.memref_slice %arg7[%mul3A_2, %dma_start3A_163] : memref<16384x128xf32, #tpu.memory_space<hbm>> -> memref<512x128xf32, #tpu.memory_space<hbm>>
      %dma_start3A_165 = arith.constant 0 : i32
      %dma_start3A_166 = tpu.memref_slice %arg7[%mul3A_2, %dma_start3A_165] : memref<16384x128xf32, #tpu.memory_space<hbm>> -> memref<512x128xf32, #tpu.memory_space<hbm>>
      tpu.enqueue_dma source(%arg10 : memref<512x128xf32, #tpu.memory_space<vmem>>) target(%dma_start3A_166 : memref<512x128xf32, #tpu.memory_space<hbm>>) target_semaphore(%run_scoped3A : memref<!tpu.dma_semaphore, #tpu.memory_space<semaphore_mem>>)
      %dma_wait3A_167 = arith.constant 0 : i32
      %dma_wait3A_168 = tpu.memref_slice %arg7[%mul3A_2, %dma_wait3A_167] : memref<16384x128xf32, #tpu.memory_space<hbm>> -> memref<512x128xf32, #tpu.memory_space<hbm>>
      %dma_wait3A_169 = arith.constant 0 : i32
      %dma_wait3A_170 = tpu.memref_slice %arg7[%mul3A_2, %dma_wait3A_169] : memref<16384x128xf32, #tpu.memory_space<hbm>> -> memref<512x128xf32, #tpu.memory_space<hbm>>
      tpu.wait_dma2 semaphore(%run_scoped3A : memref<!tpu.dma_semaphore, #tpu.memory_space<semaphore_mem>>) src(%arg10 : memref<512x128xf32, #tpu.memory_space<vmem>>) dst(%dma_wait3A_170 : memref<512x128xf32, #tpu.memory_space<hbm>>)
      tpu.yield
    }) : () -> ()
    return
  }
}

module attributes {stable_mosaic.version = 14 : i64} {
  func.func @_towers_body(%arg0: i32, %arg1: memref<1024x128xf32, #tpu.memory_space<vmem>>, %arg2: memref<1024x128xf32, #tpu.memory_space<vmem>>, %arg3: memref<1024x1xi32, #tpu.memory_space<vmem>>, %arg4: memref<1024x1xi32, #tpu.memory_space<vmem>>, %arg5: memref<64x128xf32, #tpu.memory_space<vmem>>, %arg6: memref<1x128xf32, #tpu.memory_space<vmem>>, %arg7: memref<128x64xf32, #tpu.memory_space<vmem>>, %arg8: memref<1x64xf32, #tpu.memory_space<vmem>>, %arg9: memref<64x64xf32, #tpu.memory_space<vmem>>, %arg10: memref<1x64xf32, #tpu.memory_space<vmem>>, %arg11: memref<64x128xf32, #tpu.memory_space<vmem>>, %arg12: memref<1x128xf32, #tpu.memory_space<vmem>>, %arg13: memref<128x64xf32, #tpu.memory_space<vmem>>, %arg14: memref<1x64xf32, #tpu.memory_space<vmem>>, %arg15: memref<64x64xf32, #tpu.memory_space<vmem>>, %arg16: memref<1x64xf32, #tpu.memory_space<vmem>>, %arg17: memref<1x64xf32, #tpu.memory_space<vmem>>, %arg18: memref<1x1xf32, #tpu.memory_space<vmem>>, %arg19: memref<1024x64xf32, #tpu.memory_space<vmem>>, %arg20: memref<1024x64xf32, #tpu.memory_space<vmem>>, %arg21: memref<1024x1xf32, #tpu.memory_space<vmem>>) attributes {dimension_semantics = [#tpu.dimension_semantics<arbitrary>], iteration_bounds = array<i64: 16>, scalar_prefetch = 0 : i64, scratch_operands = 0 : i64, tpu.core_type = #tpu.core_type<tc>, window_params = [{transform_indices = @transform_0, window_bounds = array<i64: 1024, 128>}, {transform_indices = @transform_1, window_bounds = array<i64: 1024, 128>}, {transform_indices = @transform_2, window_bounds = array<i64: 1024, 1>}, {transform_indices = @transform_3, window_bounds = array<i64: 1024, 1>}, {pipeline_mode = #tpu.pipeline_mode<synchronous>, transform_indices = @transform_4, window_bounds = array<i64: 64, 128>}, {pipeline_mode = #tpu.pipeline_mode<synchronous>, transform_indices = @transform_5, window_bounds = array<i64: 1, 128>}, {pipeline_mode = #tpu.pipeline_mode<synchronous>, transform_indices = @transform_6, window_bounds = array<i64: 128, 64>}, {pipeline_mode = #tpu.pipeline_mode<synchronous>, transform_indices = @transform_7, window_bounds = array<i64: 1, 64>}, {pipeline_mode = #tpu.pipeline_mode<synchronous>, transform_indices = @transform_8, window_bounds = array<i64: 64, 64>}, {pipeline_mode = #tpu.pipeline_mode<synchronous>, transform_indices = @transform_9, window_bounds = array<i64: 1, 64>}, {pipeline_mode = #tpu.pipeline_mode<synchronous>, transform_indices = @transform_10, window_bounds = array<i64: 64, 128>}, {pipeline_mode = #tpu.pipeline_mode<synchronous>, transform_indices = @transform_11, window_bounds = array<i64: 1, 128>}, {pipeline_mode = #tpu.pipeline_mode<synchronous>, transform_indices = @transform_12, window_bounds = array<i64: 128, 64>}, {pipeline_mode = #tpu.pipeline_mode<synchronous>, transform_indices = @transform_13, window_bounds = array<i64: 1, 64>}, {pipeline_mode = #tpu.pipeline_mode<synchronous>, transform_indices = @transform_14, window_bounds = array<i64: 64, 64>}, {pipeline_mode = #tpu.pipeline_mode<synchronous>, transform_indices = @transform_15, window_bounds = array<i64: 1, 64>}, {pipeline_mode = #tpu.pipeline_mode<synchronous>, transform_indices = @transform_16, window_bounds = array<i64: 1, 64>}, {pipeline_mode = #tpu.pipeline_mode<synchronous>, transform_indices = @transform_17, window_bounds = array<i64: 1, 1>}, {transform_indices = @transform_18, window_bounds = array<i64: 1024, 64>}, {transform_indices = @transform_19, window_bounds = array<i64: 1024, 64>}, {transform_indices = @transform_20, window_bounds = array<i64: 1024, 1>}]} {
    %get3A = arith.constant 0 : index
    %get3A_0 = arith.constant 0 : index
    %get3A_1 = vector.load %arg3[%get3A, %get3A_0] : memref<1024x1xi32, #tpu.memory_space<vmem>>, vector<1024x1xi32>
    %and3A = arith.constant 1 : i32
    %and3A_2 = vector.broadcast %and3A : i32 to vector<1024x1xi32>
    %and3A_3 = arith.andi %get3A_1, %and3A_2 : vector<1024x1xi32>
    %eq3A = arith.constant 1 : i32
    %eq3A_4 = vector.broadcast %eq3A : i32 to vector<1024x1xi32>
    %eq3A_5 = arith.cmpi eq, %and3A_3, %eq3A_4 : vector<1024x1xi32>
    %get3A_6 = arith.constant 0 : index
    %get3A_7 = arith.constant 0 : index
    %get3A_8 = vector.load %arg4[%get3A_6, %get3A_7] : memref<1024x1xi32, #tpu.memory_space<vmem>>, vector<1024x1xi32>
    %and3A_9 = arith.constant 1 : i32
    %and3A_10 = vector.broadcast %and3A_9 : i32 to vector<1024x1xi32>
    %and3A_11 = arith.andi %get3A_8, %and3A_10 : vector<1024x1xi32>
    %eq3A_12 = arith.constant 1 : i32
    %eq3A_13 = vector.broadcast %eq3A_12 : i32 to vector<1024x1xi32>
    %eq3A_14 = arith.cmpi eq, %and3A_11, %eq3A_13 : vector<1024x1xi32>
    %get3A_15 = arith.constant 0 : index
    %get3A_16 = arith.constant 64 : index
    %get3A_17 = vector.load %arg1[%get3A_15, %get3A_16] : memref<1024x128xf32, #tpu.memory_space<vmem>>, vector<1024x64xf32>
    %get3A_18 = arith.constant 0 : index
    %get3A_19 = arith.constant 0 : index
    %get3A_20 = vector.load %arg1[%get3A_18, %get3A_19] : memref<1024x128xf32, #tpu.memory_space<vmem>>, vector<1024x64xf32>
    %broadcast_in_dim3A = vector.shape_cast %eq3A_5 : vector<1024x1xi1> to vector<1024x1xi1>
    %broadcast_in_dim3A_21 = vector.broadcast %broadcast_in_dim3A : vector<1024x1xi1> to vector<1024x64xi1>
    %select_n3A = arith.select %broadcast_in_dim3A_21, %get3A_17, %get3A_20 : vector<1024x64xi1>, vector<1024x64xf32>
    %get3A_22 = arith.constant 0 : index
    %get3A_23 = arith.constant 64 : index
    %get3A_24 = vector.load %arg2[%get3A_22, %get3A_23] : memref<1024x128xf32, #tpu.memory_space<vmem>>, vector<1024x64xf32>
    %get3A_25 = arith.constant 0 : index
    %get3A_26 = arith.constant 0 : index
    %get3A_27 = vector.load %arg2[%get3A_25, %get3A_26] : memref<1024x128xf32, #tpu.memory_space<vmem>>, vector<1024x64xf32>
    %broadcast_in_dim3A_28 = vector.shape_cast %eq3A_14 : vector<1024x1xi1> to vector<1024x1xi1>
    %broadcast_in_dim3A_29 = vector.broadcast %broadcast_in_dim3A_28 : vector<1024x1xi1> to vector<1024x64xi1>
    %select_n3A_30 = arith.select %broadcast_in_dim3A_29, %get3A_24, %get3A_27 : vector<1024x64xi1>, vector<1024x64xf32>
    %get3A_31 = arith.constant 0 : index
    %get3A_32 = arith.constant 0 : index
    %get3A_33 = vector.load %arg5[%get3A_31, %get3A_32] : memref<64x128xf32, #tpu.memory_space<vmem>>, vector<64x128xf32>
    %dot_general3A = arith.constant dense<0.000000e+00> : vector<1024x128xf32>
    %dot_general3A_34 = tpu.matmul %select_n3A, %get3A_33, %dot_general3A {dimension_numbers = #tpu.dot_dimension_numbers<[1], [0], [0], [1], [0, 0, 1, 1], [], []>, transpose_lhs_hint = false} : vector<1024x64xf32>, vector<64x128xf32>, vector<1024x128xf32> -> vector<1024x128xf32>
    %get3A_35 = arith.constant 0 : index
    %get3A_36 = arith.constant 0 : index
    %get3A_37 = vector.load %arg6[%get3A_35, %get3A_36] : memref<1x128xf32, #tpu.memory_space<vmem>>, vector<1x128xf32>
    %add3A = vector.broadcast %get3A_37 : vector<1x128xf32> to vector<1024x128xf32>
    %add3A_38 = arith.addf %dot_general3A_34, %add3A : vector<1024x128xf32>
    %max3A = arith.constant 0.000000e+00 : f32
    %max3A_39 = vector.broadcast %max3A : f32 to vector<1024x128xf32>
    %max3A_40 = arith.maximumf %add3A_38, %max3A_39 : vector<1024x128xf32>
    %get3A_41 = arith.constant 0 : index
    %get3A_42 = arith.constant 0 : index
    %get3A_43 = vector.load %arg7[%get3A_41, %get3A_42] : memref<128x64xf32, #tpu.memory_space<vmem>>, vector<128x64xf32>
    %dot_general3A_44 = arith.constant dense<0.000000e+00> : vector<1024x64xf32>
    %dot_general3A_45 = tpu.matmul %max3A_40, %get3A_43, %dot_general3A_44 {dimension_numbers = #tpu.dot_dimension_numbers<[1], [0], [0], [1], [0, 0, 1, 1], [], []>, transpose_lhs_hint = false} : vector<1024x128xf32>, vector<128x64xf32>, vector<1024x64xf32> -> vector<1024x64xf32>
    %get3A_46 = arith.constant 0 : index
    %get3A_47 = arith.constant 0 : index
    %get3A_48 = vector.load %arg8[%get3A_46, %get3A_47] : memref<1x64xf32, #tpu.memory_space<vmem>>, vector<1x64xf32>
    %add3A_49 = vector.broadcast %get3A_48 : vector<1x64xf32> to vector<1024x64xf32>
    %add3A_50 = arith.addf %dot_general3A_45, %add3A_49 : vector<1024x64xf32>
    %max3A_51 = arith.constant 0.000000e+00 : f32
    %max3A_52 = vector.broadcast %max3A_51 : f32 to vector<1024x64xf32>
    %max3A_53 = arith.maximumf %add3A_50, %max3A_52 : vector<1024x64xf32>
    %get3A_54 = arith.constant 0 : index
    %get3A_55 = arith.constant 0 : index
    %get3A_56 = vector.load %arg9[%get3A_54, %get3A_55] : memref<64x64xf32, #tpu.memory_space<vmem>>, vector<64x64xf32>
    %dot_general3A_57 = arith.constant dense<0.000000e+00> : vector<1024x64xf32>
    %dot_general3A_58 = tpu.matmul %max3A_53, %get3A_56, %dot_general3A_57 {dimension_numbers = #tpu.dot_dimension_numbers<[1], [0], [0], [1], [0, 0, 1, 1], [], []>, transpose_lhs_hint = false} : vector<1024x64xf32>, vector<64x64xf32>, vector<1024x64xf32> -> vector<1024x64xf32>
    %get3A_59 = arith.constant 0 : index
    %get3A_60 = arith.constant 0 : index
    %get3A_61 = vector.load %arg10[%get3A_59, %get3A_60] : memref<1x64xf32, #tpu.memory_space<vmem>>, vector<1x64xf32>
    %add3A_62 = vector.broadcast %get3A_61 : vector<1x64xf32> to vector<1024x64xf32>
    %add3A_63 = arith.addf %dot_general3A_58, %add3A_62 : vector<1024x64xf32>
    %get3A_64 = arith.constant 0 : index
    %get3A_65 = arith.constant 0 : index
    %get3A_66 = vector.load %arg11[%get3A_64, %get3A_65] : memref<64x128xf32, #tpu.memory_space<vmem>>, vector<64x128xf32>
    %dot_general3A_67 = arith.constant dense<0.000000e+00> : vector<1024x128xf32>
    %dot_general3A_68 = tpu.matmul %select_n3A_30, %get3A_66, %dot_general3A_67 {dimension_numbers = #tpu.dot_dimension_numbers<[1], [0], [0], [1], [0, 0, 1, 1], [], []>, transpose_lhs_hint = false} : vector<1024x64xf32>, vector<64x128xf32>, vector<1024x128xf32> -> vector<1024x128xf32>
    %get3A_69 = arith.constant 0 : index
    %get3A_70 = arith.constant 0 : index
    %get3A_71 = vector.load %arg12[%get3A_69, %get3A_70] : memref<1x128xf32, #tpu.memory_space<vmem>>, vector<1x128xf32>
    %add3A_72 = vector.broadcast %get3A_71 : vector<1x128xf32> to vector<1024x128xf32>
    %add3A_73 = arith.addf %dot_general3A_68, %add3A_72 : vector<1024x128xf32>
    %max3A_74 = arith.constant 0.000000e+00 : f32
    %max3A_75 = vector.broadcast %max3A_74 : f32 to vector<1024x128xf32>
    %max3A_76 = arith.maximumf %add3A_73, %max3A_75 : vector<1024x128xf32>
    %get3A_77 = arith.constant 0 : index
    %get3A_78 = arith.constant 0 : index
    %get3A_79 = vector.load %arg13[%get3A_77, %get3A_78] : memref<128x64xf32, #tpu.memory_space<vmem>>, vector<128x64xf32>
    %dot_general3A_80 = arith.constant dense<0.000000e+00> : vector<1024x64xf32>
    %dot_general3A_81 = tpu.matmul %max3A_76, %get3A_79, %dot_general3A_80 {dimension_numbers = #tpu.dot_dimension_numbers<[1], [0], [0], [1], [0, 0, 1, 1], [], []>, transpose_lhs_hint = false} : vector<1024x128xf32>, vector<128x64xf32>, vector<1024x64xf32> -> vector<1024x64xf32>
    %get3A_82 = arith.constant 0 : index
    %get3A_83 = arith.constant 0 : index
    %get3A_84 = vector.load %arg14[%get3A_82, %get3A_83] : memref<1x64xf32, #tpu.memory_space<vmem>>, vector<1x64xf32>
    %add3A_85 = vector.broadcast %get3A_84 : vector<1x64xf32> to vector<1024x64xf32>
    %add3A_86 = arith.addf %dot_general3A_81, %add3A_85 : vector<1024x64xf32>
    %max3A_87 = arith.constant 0.000000e+00 : f32
    %max3A_88 = vector.broadcast %max3A_87 : f32 to vector<1024x64xf32>
    %max3A_89 = arith.maximumf %add3A_86, %max3A_88 : vector<1024x64xf32>
    %get3A_90 = arith.constant 0 : index
    %get3A_91 = arith.constant 0 : index
    %get3A_92 = vector.load %arg15[%get3A_90, %get3A_91] : memref<64x64xf32, #tpu.memory_space<vmem>>, vector<64x64xf32>
    %dot_general3A_93 = arith.constant dense<0.000000e+00> : vector<1024x64xf32>
    %dot_general3A_94 = tpu.matmul %max3A_89, %get3A_92, %dot_general3A_93 {dimension_numbers = #tpu.dot_dimension_numbers<[1], [0], [0], [1], [0, 0, 1, 1], [], []>, transpose_lhs_hint = false} : vector<1024x64xf32>, vector<64x64xf32>, vector<1024x64xf32> -> vector<1024x64xf32>
    %get3A_95 = arith.constant 0 : index
    %get3A_96 = arith.constant 0 : index
    %get3A_97 = vector.load %arg16[%get3A_95, %get3A_96] : memref<1x64xf32, #tpu.memory_space<vmem>>, vector<1x64xf32>
    %add3A_98 = vector.broadcast %get3A_97 : vector<1x64xf32> to vector<1024x64xf32>
    %add3A_99 = arith.addf %dot_general3A_94, %add3A_98 : vector<1024x64xf32>
    %swap3A = arith.constant 0 : index
    %swap3A_100 = arith.constant 0 : index
    %swap3A_101 = vector.load %arg19[%swap3A, %swap3A_100] : memref<1024x64xf32, #tpu.memory_space<vmem>>, vector<1024x64xf32>
    tpu.vector_store %arg19[%swap3A, %swap3A_100], %add3A_63 {strides = array<i32>} : memref<1024x64xf32, #tpu.memory_space<vmem>>, vector<1024x64xf32>,
    %swap3A_102 = arith.constant 0 : index
    %swap3A_103 = arith.constant 0 : index
    %swap3A_104 = vector.load %arg20[%swap3A_102, %swap3A_103] : memref<1024x64xf32, #tpu.memory_space<vmem>>, vector<1024x64xf32>
    tpu.vector_store %arg20[%swap3A_102, %swap3A_103], %add3A_99 {strides = array<i32>} : memref<1024x64xf32, #tpu.memory_space<vmem>>, vector<1024x64xf32>,
    %mul3A = arith.mulf %add3A_63, %add3A_99 : vector<1024x64xf32>
    %get3A_105 = arith.constant 0 : index
    %get3A_106 = arith.constant 0 : index
    %get3A_107 = vector.load %arg17[%get3A_105, %get3A_106] : memref<1x64xf32, #tpu.memory_space<vmem>>, vector<1x64xf32>
    %mul3A_108 = vector.broadcast %get3A_107 : vector<1x64xf32> to vector<1024x64xf32>
    %mul3A_109 = arith.mulf %mul3A, %mul3A_108 : vector<1024x64xf32>
    %reduce_sum3A = arith.constant dense<0.000000e+00> : vector<1024xf32>
    %reduce_sum3A_110 = vector.multi_reduction <add>, %mul3A_109, %reduce_sum3A [1] : vector<1024x64xf32> to vector<1024xf32>
    %broadcast_in_dim3A_111 = vector.shape_cast %reduce_sum3A_110 : vector<1024xf32> to vector<1024x1xf32>
    %get3A_112 = arith.constant 0 : index
    %get3A_113 = arith.constant 0 : index
    %get3A_114 = vector.load %arg18[%get3A_112, %get3A_113] : memref<1x1xf32, #tpu.memory_space<vmem>>, vector<1x1xf32>
    %add3A_115 = vector.broadcast %get3A_114 : vector<1x1xf32> to vector<1024x1xf32>
    %add3A_116 = arith.addf %broadcast_in_dim3A_111, %add3A_115 : vector<1024x1xf32>
    %logistic3A = arith.negf %add3A_116 : vector<1024x1xf32>
    %logistic3A_117 = math.exp %logistic3A : vector<1024x1xf32>
    %logistic3A_118 = arith.constant 1.000000e+00 : f32
    %logistic3A_119 = vector.broadcast %logistic3A_118 : f32 to vector<1024x1xf32>
    %logistic3A_120 = arith.addf %logistic3A_119, %logistic3A_117 : vector<1024x1xf32>
    %logistic3A_121 = arith.divf %logistic3A_119, %logistic3A_120 : vector<1024x1xf32>
    %mul3A_122 = arith.constant 5.000000e+00 : f32
    %mul3A_123 = vector.broadcast %mul3A_122 : f32 to vector<1024x1xf32>
    %mul3A_124 = arith.mulf %logistic3A_121, %mul3A_123 : vector<1024x1xf32>
    %swap3A_125 = arith.constant 0 : index
    %swap3A_126 = arith.constant 0 : index
    %swap3A_127 = vector.load %arg21[%swap3A_125, %swap3A_126] : memref<1024x1xf32, #tpu.memory_space<vmem>>, vector<1024x1xf32>
    tpu.vector_store %arg21[%swap3A_125, %swap3A_126], %mul3A_124 {strides = array<i32>} : memref<1024x1xf32, #tpu.memory_space<vmem>>, vector<1024x1xf32>,
    return
  }
  func.func @transform_0(%arg0: i32) -> (i32, i32) {
    %c0_i32 = arith.constant 0 : i32
    %c0_i32_0 = arith.constant 0 : i32
    return %arg0, %c0_i32 : i32, i32
  }
  func.func @transform_1(%arg0: i32) -> (i32, i32) {
    %c0_i32 = arith.constant 0 : i32
    %c0_i32_0 = arith.constant 0 : i32
    return %arg0, %c0_i32 : i32, i32
  }
  func.func @transform_2(%arg0: i32) -> (i32, i32) {
    %c0_i32 = arith.constant 0 : i32
    %c0_i32_0 = arith.constant 0 : i32
    return %arg0, %c0_i32 : i32, i32
  }
  func.func @transform_3(%arg0: i32) -> (i32, i32) {
    %c0_i32 = arith.constant 0 : i32
    %c0_i32_0 = arith.constant 0 : i32
    return %arg0, %c0_i32 : i32, i32
  }
  func.func @transform_4(%arg0: i32) -> (i32, i32) {
    %c0_i32 = arith.constant 0 : i32
    %c0_i32_0 = arith.constant 0 : i32
    %c0_i32_1 = arith.constant 0 : i32
    return %c0_i32, %c0_i32_0 : i32, i32
  }
  func.func @transform_5(%arg0: i32) -> (i32, i32) {
    %c0_i32 = arith.constant 0 : i32
    %c0_i32_0 = arith.constant 0 : i32
    %c0_i32_1 = arith.constant 0 : i32
    return %c0_i32, %c0_i32_0 : i32, i32
  }
  func.func @transform_6(%arg0: i32) -> (i32, i32) {
    %c0_i32 = arith.constant 0 : i32
    %c0_i32_0 = arith.constant 0 : i32
    %c0_i32_1 = arith.constant 0 : i32
    return %c0_i32, %c0_i32_0 : i32, i32
  }
  func.func @transform_7(%arg0: i32) -> (i32, i32) {
    %c0_i32 = arith.constant 0 : i32
    %c0_i32_0 = arith.constant 0 : i32
    %c0_i32_1 = arith.constant 0 : i32
    return %c0_i32, %c0_i32_0 : i32, i32
  }
  func.func @transform_8(%arg0: i32) -> (i32, i32) {
    %c0_i32 = arith.constant 0 : i32
    %c0_i32_0 = arith.constant 0 : i32
    %c0_i32_1 = arith.constant 0 : i32
    return %c0_i32, %c0_i32_0 : i32, i32
  }
  func.func @transform_9(%arg0: i32) -> (i32, i32) {
    %c0_i32 = arith.constant 0 : i32
    %c0_i32_0 = arith.constant 0 : i32
    %c0_i32_1 = arith.constant 0 : i32
    return %c0_i32, %c0_i32_0 : i32, i32
  }
  func.func @transform_10(%arg0: i32) -> (i32, i32) {
    %c0_i32 = arith.constant 0 : i32
    %c0_i32_0 = arith.constant 0 : i32
    %c0_i32_1 = arith.constant 0 : i32
    return %c0_i32, %c0_i32_0 : i32, i32
  }
  func.func @transform_11(%arg0: i32) -> (i32, i32) {
    %c0_i32 = arith.constant 0 : i32
    %c0_i32_0 = arith.constant 0 : i32
    %c0_i32_1 = arith.constant 0 : i32
    return %c0_i32, %c0_i32_0 : i32, i32
  }
  func.func @transform_12(%arg0: i32) -> (i32, i32) {
    %c0_i32 = arith.constant 0 : i32
    %c0_i32_0 = arith.constant 0 : i32
    %c0_i32_1 = arith.constant 0 : i32
    return %c0_i32, %c0_i32_0 : i32, i32
  }
  func.func @transform_13(%arg0: i32) -> (i32, i32) {
    %c0_i32 = arith.constant 0 : i32
    %c0_i32_0 = arith.constant 0 : i32
    %c0_i32_1 = arith.constant 0 : i32
    return %c0_i32, %c0_i32_0 : i32, i32
  }
  func.func @transform_14(%arg0: i32) -> (i32, i32) {
    %c0_i32 = arith.constant 0 : i32
    %c0_i32_0 = arith.constant 0 : i32
    %c0_i32_1 = arith.constant 0 : i32
    return %c0_i32, %c0_i32_0 : i32, i32
  }
  func.func @transform_15(%arg0: i32) -> (i32, i32) {
    %c0_i32 = arith.constant 0 : i32
    %c0_i32_0 = arith.constant 0 : i32
    %c0_i32_1 = arith.constant 0 : i32
    return %c0_i32, %c0_i32_0 : i32, i32
  }
  func.func @transform_16(%arg0: i32) -> (i32, i32) {
    %c0_i32 = arith.constant 0 : i32
    %c0_i32_0 = arith.constant 0 : i32
    %c0_i32_1 = arith.constant 0 : i32
    return %c0_i32, %c0_i32_0 : i32, i32
  }
  func.func @transform_17(%arg0: i32) -> (i32, i32) {
    %c0_i32 = arith.constant 0 : i32
    %c0_i32_0 = arith.constant 0 : i32
    %c0_i32_1 = arith.constant 0 : i32
    return %c0_i32, %c0_i32_0 : i32, i32
  }
  func.func @transform_18(%arg0: i32) -> (i32, i32) {
    %c0_i32 = arith.constant 0 : i32
    %c0_i32_0 = arith.constant 0 : i32
    return %arg0, %c0_i32 : i32, i32
  }
  func.func @transform_19(%arg0: i32) -> (i32, i32) {
    %c0_i32 = arith.constant 0 : i32
    %c0_i32_0 = arith.constant 0 : i32
    return %arg0, %c0_i32 : i32, i32
  }
  func.func @transform_20(%arg0: i32) -> (i32, i32) {
    %c0_i32 = arith.constant 0 : i32
    %c0_i32_0 = arith.constant 0 : i32
    return %arg0, %c0_i32 : i32, i32
  }
}

</mosaic_0001>

<sc_bundles>
// kernel: kernel.4.cloned.1.call-start
scs
__scs_entry_jumppad:
0x0: {  	(pc) =	sbr.rel $0x88, $3  }
0x1: {  	(tag) =	ssettag $0x0;
	lr =	simm.s32 $0x1  }
0x2: {  	[smem:$0x3F8F] =	sst lr;
	_ =	strace $0xD0000000  }
0x3: {  	_ = 	snop  }
0x4: {  	_ = 	snop  }
0x5: {  	_ = 	snop  }
0x6: {  	_ = 	snop  }
0x7: {  	_ = 	snop  }
__scs_overlays_trampoline_lowered:
0x8: {  	[smem:$0x3F9E] =	sst s0  }
0x9: {  	[smem:$0x3F9F] =	sst s1  }
0xa: {  	[smem:$0x3FA0] =	sst s2  }
0xb: {  	[smem:$0x3FA1] =	sst s3  }
0xc: {  	[smem:$0x3FA2] =	sst s4  }
0xd: {  	[smem:$0x3FA3] =	sst s5  }
0xe: {  	[smem:$0x3FA4] =	sst s6  }
0xf: {  	[smem:$0x3FA5] =	sst s7  }
0x10: {  	[smem:$0x3FA6] =	sst s8  }
0x11: {  	[smem:$0x3FA7] =	sst s9;
	s0 =	simm.s32 @!p0 $0x0  }
0x12: {  	s1 =	sld [smem:$0x3F8D];
	s0 =	simm.s32 @p0 $0x1  }
0x13: {  	[smem:$0x3FA8] =	sst s0;
	s0 =	simm.s32 @!p1 $0x0  }
0x14: {  	s2 =	sld [smem:$0x3F8C];
	s0 =	simm.s32 @p1 $0x1  }
0x15: {  	[smem:$0x3FA9] =	sst s0;
	s0 =	simm.s32 @!p2 $0x0  }
0x16: {  	s3 =	sld [smem:$0x3FDB];
	s0 =	simm.s32 @p2 $0x1  }
0x17: {  	s4 =	simm.s32 $0x1BF5;
	[smem:$0x3FAB] =	sst s0  }
0x18: {  	s0 =	sld [smem:$0x3F8E];
	_ =	swait.ge [sflag:s4], $0x0  }
0x19: {  	s7 =	sld [smem:$0x3F8F]  }
0x1a: {  	s8 =	sadd.s32 $0xFFFFE003, lr  }
0x1b: {  	s9 =	sadd.s32 $0xFFFFFEF7, lr;
	s5 =	simm.s32 $0xFFFFFFFF;
	p2 =	slt.u32 s8, $0xFFFFF086  }
0x1c: {  	p1 =	slt.u32 s9, $0xF7A;
	s5 =	simm.s32 @!p2 $0x0  }
0x1d: {  	s5 =	simm.s32 @p1 $0x1;
	p0 =	seq.s32 s7, s2  }
0x1e: {  	s7 =	smul.u32 @!p0 $0xF7A, s2;
	p2 =	seq.s32 @!p0 s5, $0x0  }
0x1f: {  	s9 =	smul.u32 $0xF7A, s1;
	s8 =	simm.s32 @!p0 $0x1BF5;
	p2 =	por !p2, p0  }
0x20: {  	[sflag:s8] =	ssyncset.s32 @!p0 $0xFFFFF086;
	s6 =	sadd.s32 @!p0 s3, s7;
	s7 =	simm.s32 @!p0 $0x108  }
0x21: {  	s3 =	sadd.s32 s3, s9;
	s6 =	sadd.s32 @!p0 $0x88, s6;
	s7 =	simm.s32 @p2 $0x1082  }
0x22: {  	[simem:s7], [sflag:s8] =	dma.local @!p0 [hbm:s6], $0xF7A  }
0x23: {  	s9 =	sor.u32 $0xD0000000, s2;
	s6 =	simm.s32 $0x108;
	_ =	swait.ge @!p0 [sflag:s8], $0x0  }
0x24: {  	s3 =	sadd.s32 $0x88, s3;
	s6 =	simm.s32 @!p1 $0x1082;
	[sflag:s4] =	ssyncset.s32 $0xFFFFF086  }
0x25: {  	[simem:s6], [sflag:s4] =	dma.local [hbm:s3], $0xF7A  }
0x26: {  	[smem:$0x3F8F] =	sst s1;
	(tag) =	ssettag s2;
	_ =	strace s9  }
0x27: {  	s1 =	sld [smem:$0x3F9F]  }
0x28: {  	s2 =	sld [smem:$0x3FA0]  }
0x29: {  	s4 =	sld [smem:$0x3FA2]  }
0x2a: {  	p0 =	seq.s32 s5, $0x0;
	s5 =	sld [smem:$0x3FA3]  }
0x2b: {  	s6 =	sld [smem:$0x3FA4]  }
0x2c: {  	s7 =	sld [smem:$0x3FA5]  }
0x2d: {  	s3 =	simm.s32 $0x108;
	s8 =	sld [smem:$0x3FA6]  }
0x2e: {  	s3 =	simm.s32 @!p0 $0x1082;
	s9 =	sld [smem:$0x3FA7]  }
0x2f: {  	lr =	sadd.s32 s0, s3;
	s0 =	sld [smem:$0x3F9E]  }
0x30: {  	s3 =	sld [smem:$0x3FA1]  }
0x31: {  	[smem:$0x3FAA] =	sst s10  }
0x32: {  	s10 =	sld [smem:$0x3FA8];
	_ =	sdelay $0x3  }
0x33: {  	p0 =	seq.s32 s10, $0x1;
	s10 =	sld [smem:$0x3FAA];
	_ =	sdelay $0x3  }
0x34: {  	[smem:$0x3FAA] =	sst s10  }
0x35: {  	s10 =	sld [smem:$0x3FA9];
	_ =	sdelay $0x3  }
0x36: {  	p1 =	seq.s32 s10, $0x1;
	s10 =	sld [smem:$0x3FAA];
	_ =	sdelay $0x3  }
0x37: {  	[smem:$0x3FAA] =	sst s10  }
0x38: {  	s10 =	sld [smem:$0x3FAB]  }
0x39: {  	_ = 	snop;
	(pc) =	sbr.ind lr, $3  }
0x3a: {  	_ = 	snop  }
0x3b: {  	_ = 	snop  }
0x3c: {  	p2 =	seq.s32 s10, $0x1;
	s10 =	sld [smem:$0x3FAA]  }
0x3d: {  	_ =	shalt  }
0x3e: {  	_ =	shalt  }
0x3f: {  	_ =	shalt  }
0x40: {  	_ =	shalt  }
0x41: {  	_ =	shalt  }
0x42: {  	_ =	shalt  }
0x43: {  	_ =	shalt  }
0x44: {  	_ =	shalt  }
0x45: {  	_ =	shalt  }
0x46: {  	_ =	shalt  }
0x47: {  	_ =	shalt  }
0x48: {  	_ =	shalt  }
0x49: {  	_ =	shalt  }
0x4a: {  	_ =	shalt  }
0x4b: {  	_ =	shalt  }
0x4c: {  	_ =	shalt  }
0x4d: {  	_ =	shalt  }
0x4e: {  	_ =	shalt  }
0x4f: {  	_ =	shalt  }
0x50: {  	_ =	shalt  }
0x51: {  	_ =	shalt  }
0x52: {  	_ =	shalt  }
0x53: {  	_ =	shalt  }
0x54: {  	_ =	shalt  }
0x55: {  	_ =	shalt  }
0x56: {  	_ =	shalt  }
0x57: {  	_ =	shalt  }
0x58: {  	_ =	shalt  }
0x59: {  	_ =	shalt  }
0x5a: {  	_ =	shalt  }
0x5b: {  	_ =	shalt  }
0x5c: {  	_ =	shalt  }
0x5d: {  	_ =	shalt  }
0x5e: {  	_ =	shalt  }
0x5f: {  	_ =	shalt  }
0x60: {  	_ =	shalt  }
0x61: {  	_ =	shalt  }
0x62: {  	_ =	shalt  }
0x63: {  	_ =	shalt  }
0x64: {  	_ =	shalt  }
0x65: {  	_ =	shalt  }
0x66: {  	_ =	shalt  }
0x67: {  	_ =	shalt  }
0x68: {  	_ =	shalt  }
0x69: {  	_ =	shalt  }
0x6a: {  	_ =	shalt  }
0x6b: {  	_ =	shalt  }
0x6c: {  	_ =	shalt  }
0x6d: {  	_ =	shalt  }
0x6e: {  	_ =	shalt  }
0x6f: {  	_ =	shalt  }
0x70: {  	_ =	shalt  }
0x71: {  	_ =	shalt  }
0x72: {  	_ =	shalt  }
0x73: {  	_ =	shalt  }
0x74: {  	_ =	shalt  }
0x75: {  	_ =	shalt  }
0x76: {  	_ =	shalt  }
0x77: {  	_ =	shalt  }
0x78: {  	_ =	shalt  }
0x79: {  	_ =	shalt  }
0x7a: {  	_ =	shalt  }
0x7b: {  	_ =	shalt  }
0x7c: {  	_ =	shalt  }
0x7d: {  	_ =	shalt  }
0x7e: {  	_ =	shalt  }
0x7f: {  	_ =	shalt  }
0x80: {  	_ =	shalt  }
0x81: {  	_ =	shalt  }
0x82: {  	_ =	shalt  }
0x83: {  	_ =	shalt  }
0x84: {  	_ =	shalt  }
0x85: {  	_ =	shalt  }
0x86: {  	_ =	shalt  }
0x87: {  	_ =	shalt  }
.Lfunc_end0:
.L_simem_size_0:
called_computation_lowered:
.L_overlay_start_0:
0x88: {  	s2 =	sld [smem:$0x3FD9]  }
0x89: {  	s3 =	sld [smem:$0x3FFE];
	_ =	sdelay $0x1  }
0x8a: {  	s1 =	srdreg.scid  }
0x8b: {  	s0 =	sand.u32 $0x1, s1  }
0x8c: {  	s14 =	sshll.u32 s0, $0xA;
	s2 =	sadd.s32 s3, s2  }
0x8d: {  	s2 =	sadd.s32 s2, s14  }
0x8e: {  	[smem:$0x3FB6] =	sst s2  }
0x8f: {  	_ = 	snop  }
0x90: {  	s2 =	sld [smem:$0x3FD0];
	_ =	sdelay $0x2  }
0x91: {  	s15 =	simm.s32 $0xA;
	s4 =	simm.s32 $0x10  }
0x92: {  	[smem:s4], [sflag:s15] =	dma.local [hbm:s2], $0x1  }
0x93: {  	_ =	swait.eq [sflag:s15], $0x1  }
0x94: {  	[sflag:s15] =	ssyncset.done $0x0  }
0x95: {  	s16 =	sld [smem:$0x11];
	[sflag:s15] =	ssyncadd.s32 $0xFFFFFFFF  }
0x96: {  	s17 =	sld [smem:$0x12];
	(tm) =	ssettm $0x1  }
0x97: {  	s18 =	sld [smem:$0x3FFB];
	_ =	sdelay $0x3  }
0x98: {  	_ =	strace s18  }
0x99: {  	s4 =	sld [smem:$0x3FFC];
	_ =	sdelay $0x3  }
0x9a: {  	_ =	strace s4  }
0x9b: {  	s4 =	sld [smem:$0x3FFD];
	_ =	sdelay $0x3  }
0x9c: {  	_ =	strace s4  }
0x9d: {  	_ =	strace $0x8FFFFFFF  }
0x9e: {  	s19 =	sld [smem:$0x3FDB];
	_ =	sdelay $0x1  }
0x9f: {  	s5 =	simm.s32 $_scs_section_size  }
0xa0: {  	s6 =	simm.s32 $_size__tile_overlayer_lowered;
	s7 =	simm.s32 $_tile_overlayer_lowered  }
0xa1: {  	s22 =	simm.s32 $0x1BFF;
	s21 =	sshll.u32 s7, $0x1;
	s4 =	sadd.s32 s5, s19  }
0xa2: {  	s8 =	simm.s32 $0x0;
	s20 =	sshll.u32 s6, $0x1;
	s6 =	sadd.s32 s21, s4  }
0xa3: {  	[timem:s8], [sflag:s22] =	dma.local [hbm:s6], s20  }
0xa4: {  	_ =	swait.ge [sflag:s22], s20  }
0xa5: {  	s5 =	ssub.s32 $0x0, s20;
	[sflag:s22] =	ssyncset.done $0x0  }
0xa6: {  	[sflag:s22] =	ssyncadd.s32 s5;
	_ =	sdelay $0x1  }
0xa7: {  	s23 =	simm.s32 $0x1B8B  }
0xa8: {  	_ =	swait.ge [sflag:s23], $0x1  }
0xa9: {  	[sflag:s23] =	ssyncset.done $0x0  }
0xaa: {  	s25 =	simm.s32 $0x1B8E;
	s24 =	sld [smem:$0x3FFE];
	[sflag:s23] =	ssyncadd.s32 $0xFFFFFFFF  }
0xab: {  	s26 =	simm.s32 $execute0_lowered;
	[smem:$0x3FD2] =	sst s25  }
0xac: {  	s6 =	sshll.u32 s26, $0x1;
	_ =	strace $0x80000046;
	[dreg:$0x1] =	wrdreg $0xFFFFFFFF  }
0xad: {  	s28 =	simm.s32 $_size_execute0_lowered;
	s4 =	sadd.s32 s4, s6;
	[dreg:$0x0] =	wrdreg $0x0  }
0xae: {  	s6 =	sshll.u32 s28, $0x1;
	[dreg:$0x2] =	wrdreg s4  }
0xaf: {  	[dreg:$0x3] =	wrdreg s6  }
0xb0: {  	[dreg:$0x4] =	wrdreg $0xC0  }
0xb1: {  	_ =	task [dreg:s8], $0x5FFFF  }
0xb2: {  	[dreg:$0x1] =	wrdreg $0xFFFFFFFF  }
0xb3: {  	[dreg:$0x0] =	wrdreg $0x60  }
0xb4: {  	[dreg:$0x2] =	wrdreg s16  }
0xb5: {  	[dreg:$0x3] =	wrdreg s17  }
0xb6: {  	[dreg:$0x4] =	wrdreg s24  }
0xb7: {  	[dreg:$0x5] =	wrdreg $0x9  }
0xb8: {  	_ =	task.clear_ibuf [dreg:s8], $0x6FFFF;
	_ =	strace $0x90000046  }
0xb9: {  	s29 =	simm.s32 $0x9;
	_ =	strace $0x80000048  }
0xba: {  	_ =	swait.ge [sflag:s29], $0x1  }
0xbb: {  	[sflag:s29] =	ssyncadd.s32 $0xFFFFFFFF  }
0xbc: {  	_ =	strace $0x90000048  }
0xbd: {  	_ =	sfence  }
0xbe: {  	s30 =	sld [smem:$0x0];
	_ =	sdelay $0x2  }
0xbf: {  	s31 =	sshll.u32 s1, $0xD;
	s1 =	sshrl.u32 s1, $0x2  }
0xc0: {  	s3 =	sand.u32 $0x4000, s31;
	s1 =	sadd.s32 s1, s30  }
0xc1: {  	s0 =	sor.u32 s3, s0;
	s1 =	sshll.u32 s1, $0x11  }
0xc2: {  	s0 =	sor.u32 s1, s0  }
0xc3: {  	s0 =	sadd.s32 $0x8F2B, s0  }
0xc4: {  	[sflag:s0] =	ssyncadd.remote.s32 $0x1  }
0xc5: {  	_ =	sfence.sel $0xFFFF  }
0xc6: {  	[dreg:$0x0] =	wrdreg $0xFFFFFFFF;
	(pc) =	sbr.abs _section_cstart, $3  }
0xc7: {  	[dreg:$0x1] =	wrdreg $0xFFFFFFFF  }
0xc8: {  	_ =	task.clear_ibuf [dreg:s8], $0x2FFFF;
	_ =	strace $0x9FFFFFFF  }
0xc9: {  	(tm) =	ssettm $0x7FFFFFFF  }
tec
execute0_lowered:
.L_overlay_start_1:
0x0: {  	(tag) =	ssettag $0x1  }
0x1: {  	s3 =	rddreg [dreg:$0x0]  }
0x2: {  	s5 =	rddreg [dreg:$0x1]  }
0x3: {  	s17 =	rddreg [dreg:$0x2];
	s2 =	srdreg.scid  }
0x4: {  	s0 =	rddreg [dreg:$0x3];
	s1 =	stileid.u32;
	s21 =	sand.u32 $0x1, s2  }
0x5: {  	s2 =	simm.s32 $0x0;
	s4 =	sshll.u32 s1, $0x7;
	s6 =	sshll.u32 s21, $0x6  }
0x6: {  	[smem:$0x7FF] =	sst s2;
	s6 =	sor.u32 s6, s4  }
0x7: {  	_ =	strace $0x80000047;
	s4 =	sadd.s32 s3, s6;
	s3 =	simm.s32 $0x2  }
0x8: {  	[tilespmem:s2], [sflag:$0x2] =	stream.linear.gather [hbm4b:s4+s2], $0x200, $0x38;
	[tilespmem:$0x10400] =	vst v63  }
0x9: {  	_ =	swait.ge [sflag:s3], $0x200  }
0xa: {  	[sflag:s3] =	ssyncset.done $0x0  }
0xb: {  	s5 =	sadd.s32 s5, s6;
	s6 =	simm.s32 $0x200;
	[sflag:s3] =	ssyncadd.s32 $0xFFFFFE00  }
0xc: {  	[tilespmem:s6], [sflag:$0x2] =	stream.linear.gather [hbm4b:s5+s2], $0x200, $0x38;
	[tilespmem:$0x10400] =	vst v63  }
0xd: {  	_ =	swait.ge [sflag:s3], $0x200  }
0xe: {  	s8 =	simm.s32 $0x80;
	[sflag:s3] =	ssyncset.done $0x0  }
0xf: {  	s9 =	simm.s32 $0x400;
	s7 =	sadd.s32 $0xF45A00, s17;
	[sflag:s3] =	ssyncadd.s32 $0xFFFFFE00  }
0x10: {  	[tilespmem:s9], [sflag:$0x1] =	stream.indirect.gather [hbm4b:s7+s8], $0x80, s2, s8, $0xb8;
	[tilespmem:$0x10400] =	vst v63  }
0x11: {  	s10 =	simm.s32 $0x4400  }
0x12: {  	[tilespmem:s10], [sflag:$0x1] =	stream.indirect.gather [hbm4b:s7+s8], $0x80, s8, s8, $0xb8;
	[tilespmem:$0x10400] =	vst v63  }
0x13: {  	s11 =	simm.s32 $0x100;
	s12 =	simm.s32 $0x8400  }
0x14: {  	[tilespmem:s12], [sflag:$0x1] =	stream.indirect.gather [hbm4b:s7+s8], $0x80, s11, s8, $0xb8;
	[tilespmem:$0x10400] =	vst v63  }
0x15: {  	s13 =	simm.s32 $0x180;
	s14 =	simm.s32 $0xC400;
	s15 =	simm.s32 $0x1  }
0x16: {  	[tilespmem:s14], [sflag:$0x1] =	stream.indirect.gather [hbm4b:s7+s8], $0x80, s13, s8, $0xb8;
	[tilespmem:$0x10400] =	vst v63  }
0x17: {  	_ =	swait.ge [sflag:s15], $0x4000  }
0x18: {  	[sflag:s15] =	ssyncset.done $0x0  }
0x19: {  	[sflag:s15] =	ssyncadd.s32 $0xFFFFC000  }
0x1a: {  	_ =	swait.ge [sflag:s15], $0x4000  }
0x1b: {  	[sflag:s15] =	ssyncset.done $0x0  }
0x1c: {  	[sflag:s15] =	ssyncadd.s32 $0xFFFFC000  }
0x1d: {  	_ =	swait.ge [sflag:s15], $0x4000  }
0x1e: {  	[sflag:s15] =	ssyncset.done $0x0  }
0x1f: {  	s16 =	sshll.u32 s1, $0xE;
	s18 =	sshll.u32 s21, $0xD;
	[sflag:s15] =	ssyncadd.s32 $0xFFFFC000  }
0x20: {  	s16 =	sor.u32 s18, s16;
	_ =	swait.ge [sflag:s15], $0x4000  }
0x21: {  	s22 =	sadd.s32 s16, s17;
	[sflag:s15] =	ssyncset.done $0x0  }
0x22: {  	s16 =	sadd.s32 $0x3600, s22;
	[sflag:s15] =	ssyncadd.s32 $0xFFFFC000  }
0x23: {  	[hbm4b:s16+s2] =	stream.linear.scatter [tilespmem:s9], [sflag:$0x2], $0x10000, $0x38;
	[tilespmem:$0x10400] =	vst v63  }
0x24: {  	_ =	swait.ge [sflag:s3], $0x10000  }
0x25: {  	[sflag:s3] =	ssyncset.done $0x0  }
0x26: {  	s17 =	sadd.s32 $0x16E6C00, s17;
	[sflag:s3] =	ssyncadd.s32 $0xFFFF0000  }
0x27: {  	[tilespmem:s9], [sflag:$0x1] =	stream.indirect.gather [hbm4b:s17+s8], $0x80, s6, s8, $0xb8;
	[tilespmem:$0x10400] =	vst v63  }
0x28: {  	s18 =	simm.s32 $0x280  }
0x29: {  	[tilespmem:s10], [sflag:$0x1] =	stream.indirect.gather [hbm4b:s17+s8], $0x80, s18, s8, $0xb8;
	[tilespmem:$0x10400] =	vst v63  }
0x2a: {  	s19 =	simm.s32 $0x300  }
0x2b: {  	[tilespmem:s12], [sflag:$0x1] =	stream.indirect.gather [hbm4b:s17+s8], $0x80, s19, s8, $0xb8;
	[tilespmem:$0x10400] =	vst v63  }
0x2c: {  	s20 =	simm.s32 $0x380  }
0x2d: {  	[tilespmem:s14], [sflag:$0x1] =	stream.indirect.gather [hbm4b:s17+s8], $0x80, s20, s8, $0xb8;
	[tilespmem:$0x10400] =	vst v63  }
0x2e: {  	_ =	swait.ge [sflag:s15], $0x4000  }
0x2f: {  	[sflag:s15] =	ssyncset.done $0x0  }
0x30: {  	[sflag:s15] =	ssyncadd.s32 $0xFFFFC000  }
0x31: {  	_ =	swait.ge [sflag:s15], $0x4000  }
0x32: {  	[sflag:s15] =	ssyncset.done $0x0  }
0x33: {  	s21 =	ssub.s32 $0x2, s21;
	[sflag:s15] =	ssyncadd.s32 $0xFFFFC000  }
0x34: {  	s23 =	sshrl.u32 s21, $0x1;
	_ =	swait.ge [sflag:s15], $0x4000  }
0x35: {  	s23 =	ssub.s32 s21, s23;
	[sflag:s15] =	ssyncset.done $0x0  }
0x36: {  	s31 =	smax.u32 s23, $0x1;
	[sflag:s15] =	ssyncadd.s32 $0xFFFFC000  }
0x37: {  	p0 =	sne.s32 s31, $0x1;
	_ =	swait.ge [sflag:s15], $0x4000  }
.Ltmp0:
0x38: {  	[sflag:s15] =	ssyncset.done $0x0;
	(pc) =	sbr.rel @!p0 .LBB2_2-.Ltmp0, $4  }
0x39: {  	s21 =	sadd.s32 $0x43600, s22;
	[sflag:s15] =	ssyncadd.s32 $0xFFFFC000  }
0x3a: {  	[hbm4b:s21+s2] =	stream.linear.scatter [tilespmem:s9], [sflag:$0x2], $0x10000, $0x38;
	[tilespmem:$0x10400] =	vst v63  }
0x3b: {  	_ =	swait.ge [sflag:s3], $0x10000  }
0x3c: {  	s22 =	sadd.s32 $0xFFFFFFFF, s31;
	[sflag:s3] =	ssyncset.done $0x0  }
.LBB2_1:
0x3d: {  	p0 =	sne.s32 s22, $0x1;
	s22 =	sadd.s32 $0xFFFFFFFF, s22;
	[sflag:s3] =	ssyncadd.s32 $0xFFFF0000  }
0x3e: {  	[tilespmem:s2], [sflag:$0x2] =	stream.linear.gather [hbm4b:s4+s2], $0x200, $0x38;
	[tilespmem:$0x10400] =	vst v63  }
0x3f: {  	_ =	swait.ge [sflag:s3], $0x200  }
0x40: {  	[sflag:s3] =	ssyncset.done $0x0  }
0x41: {  	[sflag:s3] =	ssyncadd.s32 $0xFFFFFE00  }
0x42: {  	[tilespmem:s6], [sflag:$0x2] =	stream.linear.gather [hbm4b:s5+s2], $0x200, $0x38;
	[tilespmem:$0x10400] =	vst v63  }
0x43: {  	_ =	swait.ge [sflag:s3], $0x200  }
0x44: {  	[sflag:s3] =	ssyncset.done $0x0  }
0x45: {  	[sflag:s3] =	ssyncadd.s32 $0xFFFFFE00  }
0x46: {  	[tilespmem:s9], [sflag:$0x1] =	stream.indirect.gather [hbm4b:s7+s8], $0x80, s2, s8, $0xb8;
	[tilespmem:$0x10400] =	vst v63  }
0x47: {  	_ = 	snop  }
0x48: {  	[tilespmem:s10], [sflag:$0x1] =	stream.indirect.gather [hbm4b:s7+s8], $0x80, s8, s8, $0xb8;
	[tilespmem:$0x10400] =	vst v63  }
0x49: {  	_ = 	snop  }
0x4a: {  	[tilespmem:s12], [sflag:$0x1] =	stream.indirect.gather [hbm4b:s7+s8], $0x80, s11, s8, $0xb8;
	[tilespmem:$0x10400] =	vst v63  }
0x4b: {  	_ = 	snop  }
0x4c: {  	[tilespmem:s14], [sflag:$0x1] =	stream.indirect.gather [hbm4b:s7+s8], $0x80, s13, s8, $0xb8;
	[tilespmem:$0x10400] =	vst v63  }
0x4d: {  	_ =	swait.ge [sflag:s15], $0x4000  }
0x4e: {  	[sflag:s15] =	ssyncset.done $0x0  }
0x4f: {  	[sflag:s15] =	ssyncadd.s32 $0xFFFFC000  }
0x50: {  	_ =	swait.ge [sflag:s15], $0x4000  }
0x51: {  	[sflag:s15] =	ssyncset.done $0x0  }
0x52: {  	[sflag:s15] =	ssyncadd.s32 $0xFFFFC000  }
0x53: {  	_ =	swait.ge [sflag:s15], $0x4000  }
0x54: {  	[sflag:s15] =	ssyncset.done $0x0  }
0x55: {  	[sflag:s15] =	ssyncadd.s32 $0xFFFFC000  }
0x56: {  	_ =	swait.ge [sflag:s15], $0x4000  }
0x57: {  	[sflag:s15] =	ssyncset.done $0x0  }
0x58: {  	[sflag:s15] =	ssyncadd.s32 $0xFFFFC000  }
0x59: {  	[hbm4b:s16+s2] =	stream.linear.scatter [tilespmem:s9], [sflag:$0x2], $0x10000, $0x38;
	[tilespmem:$0x10400] =	vst v63  }
0x5a: {  	_ =	swait.ge [sflag:s3], $0x10000  }
0x5b: {  	[sflag:s3] =	ssyncset.done $0x0  }
0x5c: {  	[sflag:s3] =	ssyncadd.s32 $0xFFFF0000  }
0x5d: {  	[tilespmem:s9], [sflag:$0x1] =	stream.indirect.gather [hbm4b:s17+s8], $0x80, s6, s8, $0xb8;
	[tilespmem:$0x10400] =	vst v63  }
0x5e: {  	_ = 	snop  }
0x5f: {  	[tilespmem:s10], [sflag:$0x1] =	stream.indirect.gather [hbm4b:s17+s8], $0x80, s18, s8, $0xb8;
	[tilespmem:$0x10400] =	vst v63  }
0x60: {  	_ = 	snop  }
0x61: {  	[tilespmem:s12], [sflag:$0x1] =	stream.indirect.gather [hbm4b:s17+s8], $0x80, s19, s8, $0xb8;
	[tilespmem:$0x10400] =	vst v63  }
0x62: {  	_ = 	snop  }
0x63: {  	[tilespmem:s14], [sflag:$0x1] =	stream.indirect.gather [hbm4b:s17+s8], $0x80, s20, s8, $0xb8;
	[tilespmem:$0x10400] =	vst v63  }
0x64: {  	_ =	swait.ge [sflag:s15], $0x4000  }
0x65: {  	[sflag:s15] =	ssyncset.done $0x0  }
0x66: {  	[sflag:s15] =	ssyncadd.s32 $0xFFFFC000  }
0x67: {  	_ =	swait.ge [sflag:s15], $0x4000  }
0x68: {  	[sflag:s15] =	ssyncset.done $0x0  }
0x69: {  	[sflag:s15] =	ssyncadd.s32 $0xFFFFC000  }
0x6a: {  	_ =	swait.ge [sflag:s15], $0x4000  }
0x6b: {  	[sflag:s15] =	ssyncset.done $0x0  }
0x6c: {  	[sflag:s15] =	ssyncadd.s32 $0xFFFFC000  }
0x6d: {  	_ =	swait.ge [sflag:s15], $0x4000  }
.Ltmp1:
0x6e: {  	[sflag:s15] =	ssyncset.done $0x0;
	(pc) =	sbr.rel @p0 .LBB2_1-.Ltmp1, $4  }
0x6f: {  	[sflag:s15] =	ssyncadd.s32 $0xFFFFC000  }
0x70: {  	[hbm4b:s21+s2] =	stream.linear.scatter [tilespmem:s9], [sflag:$0x2], $0x10000, $0x38;
	[tilespmem:$0x10400] =	vst v63  }
0x71: {  	_ =	swait.ge [sflag:s3], $0x10000  }
0x72: {  	[sflag:s3] =	ssyncset.done $0x0  }
.LBB2_2:
0x73: {  	[sflag:s3] =	ssyncadd.s32 $0xFFFF0000  }
0x74: {  	_ =	sfence.sel $0x180000  }
0x75: {  	[bflag:$0x0] =	sbarrier.arrive $0xFFFF  }
0x76: {  	p0 =	sne.s32 s1, $0x0;
	_ =	strace $0x90000047  }
0x77: {  	s0 =	sadd.s32 @!p0 $0x100000, s0;
	[bflag:$0x2] =	sbarrier.arrive $0xFFFF  }
0x78: {  	[sflag:s0] =	ssyncadd.tile.s32 @!p0 $0x1;
	_ =	shalt  }
.Lfunc_end2:
_tile_overlayer_lowered:
.L_overlay_start_2:
0x79: {  	(tag) =	ssettag $0x2  }
0x7a: {  	s0 =	rddreg [dreg:$0x0];
	s2 =	stileid.u32  }
0x7b: {  	s1 =	rddreg [dreg:$0x1];
	p0 =	sne.s32 s2, $0x0  }
0x7c: {  	s3 =	rddreg [dreg:$0x2];
	[bflag:$0x3] =	sbarrier.arrive $0xFFFF;
	s2 =	simm.s32 @!p0 $0x1C02  }
0x7d: {  	[timem:s3], [sflag:s2] =	dma.local @!p0 [hbm:s0], s1  }
0x7e: {  	s0 =	simm.s32 @!p0 $0x2  }
0x7f: {  	_ =	swait.ge @!p0 [sflag:s0], s1  }
0x80: {  	s1 =	ssub.s32 @!p0 $0x0, s1;
	[sflag:s0] =	ssyncset.done @!p0 $0x0  }
0x81: {  	[sflag:s0] =	ssyncadd.s32 @!p0 s1  }
0x82: {  	[bflag:$0x3] =	sbarrier.arrive $0xFFFF  }
0x83: {  	_ =	shalt  }

</sc_bundles>
